<compile_context>
chip_gen: v7x
topology: tpu7x:2x2x1
jax: 0.10.2.dev20260603
libtpu: 0.0.44.dev20260713+nightly
codegen_flags: <defaults>
</compile_context>

<pallas_src>
import functools

import jax
import jax.numpy as jnp
from jax import lax
from jax.experimental import pallas as pl
from jax.experimental.pallas import tpu as pltpu
from jax.experimental.pallas import tpu_sc as plsc


_C = 32
_CC = 64
_NBUF = 2
_LANES = 16


def _sc_body(x_hbm, mask_hbm, emb_hbm, out_hbm,
             mask_v, idxm, xbuf, embbuf,
             sem_e, sem_m, sem_g, sem_s,
             *, rows_per_worker, num_cores, num_workers, rows_total, d):
    nch = rows_per_worker // _C
    nvec = rows_per_worker // _LANES

    wid = lax.axis_index("s") * num_cores + lax.axis_index("c")
    base = wid * rows_per_worker
    pad_row = rows_total + wid

    pltpu.sync_copy(mask_hbm.at[pl.ds(base, rows_per_worker)], mask_v)
    for r in range(_C):
        pltpu.async_copy(emb_hbm, embbuf.at[r], sem_e)

    padv = jnp.full((_LANES,), pad_row, dtype=jnp.int32)
    for j in range(nch):
        for k in range(_C // _LANES):
            idxm[j, pl.ds(k * _LANES, _LANES)] = padv

    iota = lax.broadcasted_iota(jnp.int32, (_LANES,), 0)

    def compact(i, offm):
        v = mask_v[pl.ds(i * _LANES, _LANES)]
        m = v != 0
        mi = m.astype(jnp.int32)
        ids = base + i * _LANES + iota
        c = jnp.cumsum(mi)
        posm = offm + c - 1
        plsc.store_scatter(idxm, [posm >> 5, posm & (_C - 1)], ids, mask=m)
        return offm + c[_LANES - 1]

    offm = lax.fori_loop(0, nvec, compact, jnp.int32(0))
    nch_m = (offm + _C - 1) >> 5

    def c_round(r, _):
        j0 = r * _NBUF
        gathers = [pltpu.async_copy(
            x_hbm.at[pl.ds(base + (j0 + s) * _CC, _CC)], xbuf.at[s], sem_g[s])
            for s in range(_NBUF)]
        scatters = []
        for s in range(_NBUF):
            gathers[s].wait()
            scatters.append(pltpu.async_copy(
                xbuf.at[s], out_hbm.at[pl.ds(base + (j0 + s) * _CC, _CC)],
                sem_s[s]))
        for s in range(_NBUF):
            scatters[s].wait()
        return 0

    lax.fori_loop(0, (rows_per_worker // _CC) // _NBUF, c_round, 0)

    for r in range(_C):
        pltpu.make_async_copy(emb_hbm, embbuf.at[r], sem_e).wait()

    def m_fire(j, _):
        pltpu.async_copy(embbuf, out_hbm.at[idxm.at[j]], sem_m)
        return 0

    lax.fori_loop(0, nch_m, m_fire, 0)

    def m_drain(j, _):
        pltpu.make_async_copy(embbuf, out_hbm.at[idxm.at[0]], sem_m).wait()
        return 0

    lax.fori_loop(0, nch_m, m_drain, 0)


def kernel(x, mask, mask_emb):
    b, t, d = x.shape
    rows = b * t
    x2 = x.reshape(rows, d)
    m2 = mask.astype(jnp.int32).reshape(rows)

    info = plsc.get_sparse_core_info()
    nw = info.num_cores * info.num_subcores
    rpw = rows // nw
    nch = rpw // _C
    mesh = plsc.VectorSubcoreMesh(core_axis_name="c", subcore_axis_name="s")

    body = functools.partial(_sc_body, rows_per_worker=rpw,
                             num_cores=info.num_cores, num_workers=nw,
                             rows_total=rows, d=d)
    out = pl.kernel(
        body,
        mesh=mesh,
        compiler_params=pltpu.CompilerParams(needs_layout_passes=False),
        out_type=jax.ShapeDtypeStruct((rows + nw, d), x.dtype),
        scratch_types=[
            pltpu.VMEM((rpw,), jnp.int32),
            pltpu.VMEM((nch, _C), jnp.int32),
            pltpu.VMEM((_NBUF, _CC, d), jnp.float32),
            pltpu.VMEM((_C, d), jnp.float32),
            pltpu.SemaphoreType.DMA,
            pltpu.SemaphoreType.DMA,
            [pltpu.SemaphoreType.DMA] * _NBUF,
            [pltpu.SemaphoreType.DMA] * _NBUF,
        ],
    )(x2, m2, mask_emb)
    return out[:rows].reshape(b, t, d)

# --- scband reference (transcript-rebuilt; emitter-appended) ---
"""Pipeline reference for scband-w2-v2-feature-masker-90013924590395 (READ-ONLY COPY).

The authoritative reference and input builder live on the scoring server;
editing this copy changes nothing except your own understanding.
"""

import jax, jax.numpy as jnp
import numpy as np


def setup_inputs(seed: int = 0) -> dict:
    key = jax.random.key(seed)
    k1, k2, k3 = jax.random.split(key, 3)
    x = jax.random.normal(k1, (4, 8192, 768), dtype=jnp.float32)
    mask = jax.random.randint(k2, (4, 8192), 0, 2).astype(jnp.bool_)
    # learned parameter: mask embedding, initialized uniform like nn.Parameter(...).uniform_()
    mask_emb = jax.random.uniform(k3, (768,), dtype=jnp.float32)
    return {"x": x, "mask": mask, "mask_emb": mask_emb}


def reference(x, mask, mask_emb):
    # torch: x[mask] = self.mask_emb  (masked scatter-overwrite, broadcasting
    # mask_emb over every masked (b, t) position). Functional jax equivalent:
    out = jnp.where(mask[:, :, None], mask_emb[None, None, :], x)
    return out

if __name__ == "__main__":
    import jax
    _d = setup_inputs()
    print(jax.jit(kernel)(*tuple(_d.values())))

</pallas_src>

<mosaic_0001>
#map = affine_map<(d0, d1) -> (0, 0)>
#map1 = affine_map<(d0, d1) -> (0)>
module attributes {stable_mosaic.version = 14 : i64} {
  func.func @_sc_body(%arg0: i32, %arg1: i32, %arg2: memref<32768x768xf32, #tpu.memory_space<hbm>>, %arg3: memref<32768xi32, #tpu.memory_space<hbm>>, %arg4: memref<768xf32, #tpu.memory_space<hbm>>, %arg5: memref<32800x768xf32, #tpu.memory_space<hbm>>, %arg6: memref<1024xi32, #tpu.memory_space<vmem>>, %arg7: memref<32x32xi32, #tpu.memory_space<vmem>>, %arg8: memref<2x64x768xf32, #tpu.memory_space<vmem>>, %arg9: memref<32x768xf32, #tpu.memory_space<vmem>>, %arg10: memref<!tpu.dma_semaphore, #tpu.memory_space<semaphore_mem>>, %arg11: memref<!tpu.dma_semaphore, #tpu.memory_space<semaphore_mem>>, %arg12: memref<!tpu.dma_semaphore, #tpu.memory_space<semaphore_mem>>, %arg13: memref<!tpu.dma_semaphore, #tpu.memory_space<semaphore_mem>>, %arg14: memref<!tpu.dma_semaphore, #tpu.memory_space<semaphore_mem>>, %arg15: memref<!tpu.dma_semaphore, #tpu.memory_space<semaphore_mem>>) attributes {dimension_semantics = [#tpu.dimension_semantics<core_parallel>, #tpu.dimension_semantics<subcore_parallel>], iteration_bounds = array<i64: 2, 16>, scalar_prefetch = 0 : i64, scratch_operands = 10 : i64, tpu.core_type = #tpu.core_type<sc_vector_subcore>, window_params = [{transform_indices = #map}, {transform_indices = #map1}, {transform_indices = #map1}, {transform_indices = #map}]} {
    %mul3A = arith.constant 2 : i32
    %mul3A_0 = arith.muli %arg1, %mul3A : i32
    %add3A = arith.addi %mul3A_0, %arg0 : i32
    %mul3A_1 = arith.constant 1024 : i32
    %mul3A_2 = arith.muli %add3A, %mul3A_1 : i32
    %add3A_3 = arith.constant 32768 : i32
    %add3A_4 = arith.addi %add3A_3, %add3A : i32
    "tpu.region"() ({
      %run_scoped3A = tpu.sem_alloc : memref<!tpu.dma_semaphore, #tpu.memory_space<semaphore_mem>>
      %dma_start3A_746 = tpu.memref_slice %arg3[%mul3A_2] : memref<32768xi32, #tpu.memory_space<hbm>> -> memref<1024xi32, #tpu.memory_space<hbm>>
      %dma_start3A_747 = tpu.memref_slice %arg3[%mul3A_2] : memref<32768xi32, #tpu.memory_space<hbm>> -> memref<1024xi32, #tpu.memory_space<hbm>>
      tpu.enqueue_dma source(%dma_start3A_747 : memref<1024xi32, #tpu.memory_space<hbm>>) target(%arg6 : memref<1024xi32, #tpu.memory_space<vmem>>) target_semaphore(%run_scoped3A : memref<!tpu.dma_semaphore, #tpu.memory_space<semaphore_mem>>)
      %dma_wait3A_748 = tpu.memref_slice %arg3[%mul3A_2] : memref<32768xi32, #tpu.memory_space<hbm>> -> memref<1024xi32, #tpu.memory_space<hbm>>
      %dma_wait3A_749 = tpu.memref_slice %arg3[%mul3A_2] : memref<32768xi32, #tpu.memory_space<hbm>> -> memref<1024xi32, #tpu.memory_space<hbm>>
      tpu.wait_dma2 semaphore(%run_scoped3A : memref<!tpu.dma_semaphore, #tpu.memory_space<semaphore_mem>>) src(%dma_wait3A_749 : memref<1024xi32, #tpu.memory_space<hbm>>) dst(%arg6 : memref<1024xi32, #tpu.memory_space<vmem>>)
      tpu.yield
    }) : () -> ()
    %dma_start3A = arith.constant 0 : i32
    %dma_start3A_5 = arith.constant 0 : i32
    %dma_start3A_6 = tpu.memref_slice %arg9[%dma_start3A, %dma_start3A_5] : memref<32x768xf32, #tpu.memory_space<vmem>> -> memref<1x768xf32, #tpu.memory_space<vmem>>
    %dma_start3A_7 = tpu.memref_squeeze %dma_start3A_6 : memref<1x768xf32, #tpu.memory_space<vmem>> -> memref<768xf32, #tpu.memory_space<vmem>>
    %dma_start3A_8 = arith.constant 0 : i32
    %dma_start3A_9 = tpu.memref_slice %arg9[%dma_start3A, %dma_start3A_8] : memref<32x768xf32, #tpu.memory_space<vmem>> -> memref<1x768xf32, #tpu.memory_space<vmem>>
    %dma_start3A_10 = tpu.memref_squeeze %dma_start3A_9 : memref<1x768xf32, #tpu.memory_space<vmem>> -> memref<768xf32, #tpu.memory_space<vmem>>
    tpu.enqueue_dma source(%arg4 : memref<768xf32, #tpu.memory_space<hbm>>) target(%dma_start3A_10 : memref<768xf32, #tpu.memory_space<vmem>>) target_semaphore(%arg10 : memref<!tpu.dma_semaphore, #tpu.memory_space<semaphore_mem>>)
    %dma_start3A_11 = arith.constant 1 : i32
    %dma_start3A_12 = arith.constant 0 : i32
    %dma_start3A_13 = tpu.memref_slice %arg9[%dma_start3A_11, %dma_start3A_12] : memref<32x768xf32, #tpu.memory_space<vmem>> -> memref<1x768xf32, #tpu.memory_space<vmem>>
    %dma_start3A_14 = tpu.memref_squeeze %dma_start3A_13 : memref<1x768xf32, #tpu.memory_space<vmem>> -> memref<768xf32, #tpu.memory_space<vmem>>
    %dma_start3A_15 = arith.constant 0 : i32
    %dma_start3A_16 = tpu.memref_slice %arg9[%dma_start3A_11, %dma_start3A_15] : memref<32x768xf32, #tpu.memory_space<vmem>> -> memref<1x768xf32, #tpu.memory_space<vmem>>
    %dma_start3A_17 = tpu.memref_squeeze %dma_start3A_16 : memref<1x768xf32, #tpu.memory_space<vmem>> -> memref<768xf32, #tpu.memory_space<vmem>>
    tpu.enqueue_dma source(%arg4 : memref<768xf32, #tpu.memory_space<hbm>>) target(%dma_start3A_17 : memref<768xf32, #tpu.memory_space<vmem>>) target_semaphore(%arg10 : memref<!tpu.dma_semaphore, #tpu.memory_space<semaphore_mem>>)
    %dma_start3A_18 = arith.constant 2 : i32
    %dma_start3A_19 = arith.constant 0 : i32
    %dma_start3A_20 = tpu.memref_slice %arg9[%dma_start3A_18, %dma_start3A_19] : memref<32x768xf32, #tpu.memory_space<vmem>> -> memref<1x768xf32, #tpu.memory_space<vmem>>
    %dma_start3A_21 = tpu.memref_squeeze %dma_start3A_20 : memref<1x768xf32, #tpu.memory_space<vmem>> -> memref<768xf32, #tpu.memory_space<vmem>>
    %dma_start3A_22 = arith.constant 0 : i32
    %dma_start3A_23 = tpu.memref_slice %arg9[%dma_start3A_18, %dma_start3A_22] : memref<32x768xf32, #tpu.memory_space<vmem>> -> memref<1x768xf32, #tpu.memory_space<vmem>>
    %dma_start3A_24 = tpu.memref_squeeze %dma_start3A_23 : memref<1x768xf32, #tpu.memory_space<vmem>> -> memref<768xf32, #tpu.memory_space<vmem>>
    tpu.enqueue_dma source(%arg4 : memref<768xf32, #tpu.memory_space<hbm>>) target(%dma_start3A_24 : memref<768xf32, #tpu.memory_space<vmem>>) target_semaphore(%arg10 : memref<!tpu.dma_semaphore, #tpu.memory_space<semaphore_mem>>)
    %dma_start3A_25 = arith.constant 3 : i32
    %dma_start3A_26 = arith.constant 0 : i32
    %dma_start3A_27 = tpu.memref_slice %arg9[%dma_start3A_25, %dma_start3A_26] : memref<32x768xf32, #tpu.memory_space<vmem>> -> memref<1x768xf32, #tpu.memory_space<vmem>>
    %dma_start3A_28 = tpu.memref_squeeze %dma_start3A_27 : memref<1x768xf32, #tpu.memory_space<vmem>> -> memref<768xf32, #tpu.memory_space<vmem>>
    %dma_start3A_29 = arith.constant 0 : i32
    %dma_start3A_30 = tpu.memref_slice %arg9[%dma_start3A_25, %dma_start3A_29] : memref<32x768xf32, #tpu.memory_space<vmem>> -> memref<1x768xf32, #tpu.memory_space<vmem>>
    %dma_start3A_31 = tpu.memref_squeeze %dma_start3A_30 : memref<1x768xf32, #tpu.memory_space<vmem>> -> memref<768xf32, #tpu.memory_space<vmem>>
    tpu.enqueue_dma source(%arg4 : memref<768xf32, #tpu.memory_space<hbm>>) target(%dma_start3A_31 : memref<768xf32, #tpu.memory_space<vmem>>) target_semaphore(%arg10 : memref<!tpu.dma_semaphore, #tpu.memory_space<semaphore_mem>>)
    %dma_start3A_32 = arith.constant 4 : i32
    %dma_start3A_33 = arith.constant 0 : i32
    %dma_start3A_34 = tpu.memref_slice %arg9[%dma_start3A_32, %dma_start3A_33] : memref<32x768xf32, #tpu.memory_space<vmem>> -> memref<1x768xf32, #tpu.memory_space<vmem>>
    %dma_start3A_35 = tpu.memref_squeeze %dma_start3A_34 : memref<1x768xf32, #tpu.memory_space<vmem>> -> memref<768xf32, #tpu.memory_space<vmem>>
    %dma_start3A_36 = arith.constant 0 : i32
    %dma_start3A_37 = tpu.memref_slice %arg9[%dma_start3A_32, %dma_start3A_36] : memref<32x768xf32, #tpu.memory_space<vmem>> -> memref<1x768xf32, #tpu.memory_space<vmem>>
    %dma_start3A_38 = tpu.memref_squeeze %dma_start3A_37 : memref<1x768xf32, #tpu.memory_space<vmem>> -> memref<768xf32, #tpu.memory_space<vmem>>
    tpu.enqueue_dma source(%arg4 : memref<768xf32, #tpu.memory_space<hbm>>) target(%dma_start3A_38 : memref<768xf32, #tpu.memory_space<vmem>>) target_semaphore(%arg10 : memref<!tpu.dma_semaphore, #tpu.memory_space<semaphore_mem>>)
    %dma_start3A_39 = arith.constant 5 : i32
    %dma_start3A_40 = arith.constant 0 : i32
    %dma_start3A_41 = tpu.memref_slice %arg9[%dma_start3A_39, %dma_start3A_40] : memref<32x768xf32, #tpu.memory_space<vmem>> -> memref<1x768xf32, #tpu.memory_space<vmem>>
    %dma_start3A_42 = tpu.memref_squeeze %dma_start3A_41 : memref<1x768xf32, #tpu.memory_space<vmem>> -> memref<768xf32, #tpu.memory_space<vmem>>
    %dma_start3A_43 = arith.constant 0 : i32
    %dma_start3A_44 = tpu.memref_slice %arg9[%dma_start3A_39, %dma_start3A_43] : memref<32x768xf32, #tpu.memory_space<vmem>> -> memref<1x768xf32, #tpu.memory_space<vmem>>
    %dma_start3A_45 = tpu.memref_squeeze %dma_start3A_44 : memref<1x768xf32, #tpu.memory_space<vmem>> -> memref<768xf32, #tpu.memory_space<vmem>>
    tpu.enqueue_dma source(%arg4 : memref<768xf32, #tpu.memory_space<hbm>>) target(%dma_start3A_45 : memref<768xf32, #tpu.memory_space<vmem>>) target_semaphore(%arg10 : memref<!tpu.dma_semaphore, #tpu.memory_space<semaphore_mem>>)
    %dma_start3A_46 = arith.constant 6 : i32
    %dma_start3A_47 = arith.constant 0 : i32
    %dma_start3A_48 = tpu.memref_slice %arg9[%dma_start3A_46, %dma_start3A_47] : memref<32x768xf32, #tpu.memory_space<vmem>> -> memref<1x768xf32, #tpu.memory_space<vmem>>
    %dma_start3A_49 = tpu.memref_squeeze %dma_start3A_48 : memref<1x768xf32, #tpu.memory_space<vmem>> -> memref<768xf32, #tpu.memory_space<vmem>>
    %dma_start3A_50 = arith.constant 0 : i32
    %dma_start3A_51 = tpu.memref_slice %arg9[%dma_start3A_46, %dma_start3A_50] : memref<32x768xf32, #tpu.memory_space<vmem>> -> memref<1x768xf32, #tpu.memory_space<vmem>>
    %dma_start3A_52 = tpu.memref_squeeze %dma_start3A_51 : memref<1x768xf32, #tpu.memory_space<vmem>> -> memref<768xf32, #tpu.memory_space<vmem>>
    tpu.enqueue_dma source(%arg4 : memref<768xf32, #tpu.memory_space<hbm>>) target(%dma_start3A_52 : memref<768xf32, #tpu.memory_space<vmem>>) target_semaphore(%arg10 : memref<!tpu.dma_semaphore, #tpu.memory_space<semaphore_mem>>)
    %dma_start3A_53 = arith.constant 7 : i32
    %dma_start3A_54 = arith.constant 0 : i32
    %dma_start3A_55 = tpu.memref_slice %arg9[%dma_start3A_53, %dma_start3A_54] : memref<32x768xf32, #tpu.memory_space<vmem>> -> memref<1x768xf32, #tpu.memory_space<vmem>>
    %dma_start3A_56 = tpu.memref_squeeze %dma_start3A_55 : memref<1x768xf32, #tpu.memory_space<vmem>> -> memref<768xf32, #tpu.memory_space<vmem>>
    %dma_start3A_57 = arith.constant 0 : i32
    %dma_start3A_58 = tpu.memref_slice %arg9[%dma_start3A_53, %dma_start3A_57] : memref<32x768xf32, #tpu.memory_space<vmem>> -> memref<1x768xf32, #tpu.memory_space<vmem>>
    %dma_start3A_59 = tpu.memref_squeeze %dma_start3A_58 : memref<1x768xf32, #tpu.memory_space<vmem>> -> memref<768xf32, #tpu.memory_space<vmem>>
    tpu.enqueue_dma source(%arg4 : memref<768xf32, #tpu.memory_space<hbm>>) target(%dma_start3A_59 : memref<768xf32, #tpu.memory_space<vmem>>) target_semaphore(%arg10 : memref<!tpu.dma_semaphore, #tpu.memory_space<semaphore_mem>>)
    %dma_start3A_60 = arith.constant 8 : i32
    %dma_start3A_61 = arith.constant 0 : i32
    %dma_start3A_62 = tpu.memref_slice %arg9[%dma_start3A_60, %dma_start3A_61] : memref<32x768xf32, #tpu.memory_space<vmem>> -> memref<1x768xf32, #tpu.memory_space<vmem>>
    %dma_start3A_63 = tpu.memref_squeeze %dma_start3A_62 : memref<1x768xf32, #tpu.memory_space<vmem>> -> memref<768xf32, #tpu.memory_space<vmem>>
    %dma_start3A_64 = arith.constant 0 : i32
    %dma_start3A_65 = tpu.memref_slice %arg9[%dma_start3A_60, %dma_start3A_64] : memref<32x768xf32, #tpu.memory_space<vmem>> -> memref<1x768xf32, #tpu.memory_space<vmem>>
    %dma_start3A_66 = tpu.memref_squeeze %dma_start3A_65 : memref<1x768xf32, #tpu.memory_space<vmem>> -> memref<768xf32, #tpu.memory_space<vmem>>
    tpu.enqueue_dma source(%arg4 : memref<768xf32, #tpu.memory_space<hbm>>) target(%dma_start3A_66 : memref<768xf32, #tpu.memory_space<vmem>>) target_semaphore(%arg10 : memref<!tpu.dma_semaphore, #tpu.memory_space<semaphore_mem>>)
    %dma_start3A_67 = arith.constant 9 : i32
    %dma_start3A_68 = arith.constant 0 : i32
    %dma_start3A_69 = tpu.memref_slice %arg9[%dma_start3A_67, %dma_start3A_68] : memref<32x768xf32, #tpu.memory_space<vmem>> -> memref<1x768xf32, #tpu.memory_space<vmem>>
    %dma_start3A_70 = tpu.memref_squeeze %dma_start3A_69 : memref<1x768xf32, #tpu.memory_space<vmem>> -> memref<768xf32, #tpu.memory_space<vmem>>
    %dma_start3A_71 = arith.constant 0 : i32
    %dma_start3A_72 = tpu.memref_slice %arg9[%dma_start3A_67, %dma_start3A_71] : memref<32x768xf32, #tpu.memory_space<vmem>> -> memref<1x768xf32, #tpu.memory_space<vmem>>
    %dma_start3A_73 = tpu.memref_squeeze %dma_start3A_72 : memref<1x768xf32, #tpu.memory_space<vmem>> -> memref<768xf32, #tpu.memory_space<vmem>>
    tpu.enqueue_dma source(%arg4 : memref<768xf32, #tpu.memory_space<hbm>>) target(%dma_start3A_73 : memref<768xf32, #tpu.memory_space<vmem>>) target_semaphore(%arg10 : memref<!tpu.dma_semaphore, #tpu.memory_space<semaphore_mem>>)
    %dma_start3A_74 = arith.constant 10 : i32
    %dma_start3A_75 = arith.constant 0 : i32
    %dma_start3A_76 = tpu.memref_slice %arg9[%dma_start3A_74, %dma_start3A_75] : memref<32x768xf32, #tpu.memory_space<vmem>> -> memref<1x768xf32, #tpu.memory_space<vmem>>
    %dma_start3A_77 = tpu.memref_squeeze %dma_start3A_76 : memref<1x768xf32, #tpu.memory_space<vmem>> -> memref<768xf32, #tpu.memory_space<vmem>>
    %dma_start3A_78 = arith.constant 0 : i32
    %dma_start3A_79 = tpu.memref_slice %arg9[%dma_start3A_74, %dma_start3A_78] : memref<32x768xf32, #tpu.memory_space<vmem>> -> memref<1x768xf32, #tpu.memory_space<vmem>>
    %dma_start3A_80 = tpu.memref_squeeze %dma_start3A_79 : memref<1x768xf32, #tpu.memory_space<vmem>> -> memref<768xf32, #tpu.memory_space<vmem>>
    tpu.enqueue_dma source(%arg4 : memref<768xf32, #tpu.memory_space<hbm>>) target(%dma_start3A_80 : memref<768xf32, #tpu.memory_space<vmem>>) target_semaphore(%arg10 : memref<!tpu.dma_semaphore, #tpu.memory_space<semaphore_mem>>)
    %dma_start3A_81 = arith.constant 11 : i32
    %dma_start3A_82 = arith.constant 0 : i32
    %dma_start3A_83 = tpu.memref_slice %arg9[%dma_start3A_81, %dma_start3A_82] : memref<32x768xf32, #tpu.memory_space<vmem>> -> memref<1x768xf32, #tpu.memory_space<vmem>>
    %dma_start3A_84 = tpu.memref_squeeze %dma_start3A_83 : memref<1x768xf32, #tpu.memory_space<vmem>> -> memref<768xf32, #tpu.memory_space<vmem>>
    %dma_start3A_85 = arith.constant 0 : i32
    %dma_start3A_86 = tpu.memref_slice %arg9[%dma_start3A_81, %dma_start3A_85] : memref<32x768xf32, #tpu.memory_space<vmem>> -> memref<1x768xf32, #tpu.memory_space<vmem>>
    %dma_start3A_87 = tpu.memref_squeeze %dma_start3A_86 : memref<1x768xf32, #tpu.memory_space<vmem>> -> memref<768xf32, #tpu.memory_space<vmem>>
    tpu.enqueue_dma source(%arg4 : memref<768xf32, #tpu.memory_space<hbm>>) target(%dma_start3A_87 : memref<768xf32, #tpu.memory_space<vmem>>) target_semaphore(%arg10 : memref<!tpu.dma_semaphore, #tpu.memory_space<semaphore_mem>>)
    %dma_start3A_88 = arith.constant 12 : i32
    %dma_start3A_89 = arith.constant 0 : i32
    %dma_start3A_90 = tpu.memref_slice %arg9[%dma_start3A_88, %dma_start3A_89] : memref<32x768xf32, #tpu.memory_space<vmem>> -> memref<1x768xf32, #tpu.memory_space<vmem>>
    %dma_start3A_91 = tpu.memref_squeeze %dma_start3A_90 : memref<1x768xf32, #tpu.memory_space<vmem>> -> memref<768xf32, #tpu.memory_space<vmem>>
    %dma_start3A_92 = arith.constant 0 : i32
    %dma_start3A_93 = tpu.memref_slice %arg9[%dma_start3A_88, %dma_start3A_92] : memref<32x768xf32, #tpu.memory_space<vmem>> -> memref<1x768xf32, #tpu.memory_space<vmem>>
    %dma_start3A_94 = tpu.memref_squeeze %dma_start3A_93 : memref<1x768xf32, #tpu.memory_space<vmem>> -> memref<768xf32, #tpu.memory_space<vmem>>
    tpu.enqueue_dma source(%arg4 : memref<768xf32, #tpu.memory_space<hbm>>) target(%dma_start3A_94 : memref<768xf32, #tpu.memory_space<vmem>>) target_semaphore(%arg10 : memref<!tpu.dma_semaphore, #tpu.memory_space<semaphore_mem>>)
    %dma_start3A_95 = arith.constant 13 : i32
    %dma_start3A_96 = arith.constant 0 : i32
    %dma_start3A_97 = tpu.memref_slice %arg9[%dma_start3A_95, %dma_start3A_96] : memref<32x768xf32, #tpu.memory_space<vmem>> -> memref<1x768xf32, #tpu.memory_space<vmem>>
    %dma_start3A_98 = tpu.memref_squeeze %dma_start3A_97 : memref<1x768xf32, #tpu.memory_space<vmem>> -> memref<768xf32, #tpu.memory_space<vmem>>
    %dma_start3A_99 = arith.constant 0 : i32
    %dma_start3A_100 = tpu.memref_slice %arg9[%dma_start3A_95, %dma_start3A_99] : memref<32x768xf32, #tpu.memory_space<vmem>> -> memref<1x768xf32, #tpu.memory_space<vmem>>
    %dma_start3A_101 = tpu.memref_squeeze %dma_start3A_100 : memref<1x768xf32, #tpu.memory_space<vmem>> -> memref<768xf32, #tpu.memory_space<vmem>>
    tpu.enqueue_dma source(%arg4 : memref<768xf32, #tpu.memory_space<hbm>>) target(%dma_start3A_101 : memref<768xf32, #tpu.memory_space<vmem>>) target_semaphore(%arg10 : memref<!tpu.dma_semaphore, #tpu.memory_space<semaphore_mem>>)
    %dma_start3A_102 = arith.constant 14 : i32
    %dma_start3A_103 = arith.constant 0 : i32
    %dma_start3A_104 = tpu.memref_slice %arg9[%dma_start3A_102, %dma_start3A_103] : memref<32x768xf32, #tpu.memory_space<vmem>> -> memref<1x768xf32, #tpu.memory_space<vmem>>
    %dma_start3A_105 = tpu.memref_squeeze %dma_start3A_104 : memref<1x768xf32, #tpu.memory_space<vmem>> -> memref<768xf32, #tpu.memory_space<vmem>>
    %dma_start3A_106 = arith.constant 0 : i32
    %dma_start3A_107 = tpu.memref_slice %arg9[%dma_start3A_102, %dma_start3A_106] : memref<32x768xf32, #tpu.memory_space<vmem>> -> memref<1x768xf32, #tpu.memory_space<vmem>>
    %dma_start3A_108 = tpu.memref_squeeze %dma_start3A_107 : memref<1x768xf32, #tpu.memory_space<vmem>> -> memref<768xf32, #tpu.memory_space<vmem>>
    tpu.enqueue_dma source(%arg4 : memref<768xf32, #tpu.memory_space<hbm>>) target(%dma_start3A_108 : memref<768xf32, #tpu.memory_space<vmem>>) target_semaphore(%arg10 : memref<!tpu.dma_semaphore, #tpu.memory_space<semaphore_mem>>)
    %dma_start3A_109 = arith.constant 15 : i32
    %dma_start3A_110 = arith.constant 0 : i32
    %dma_start3A_111 = tpu.memref_slice %arg9[%dma_start3A_109, %dma_start3A_110] : memref<32x768xf32, #tpu.memory_space<vmem>> -> memref<1x768xf32, #tpu.memory_space<vmem>>
    %dma_start3A_112 = tpu.memref_squeeze %dma_start3A_111 : memref<1x768xf32, #tpu.memory_space<vmem>> -> memref<768xf32, #tpu.memory_space<vmem>>
    %dma_start3A_113 = arith.constant 0 : i32
    %dma_start3A_114 = tpu.memref_slice %arg9[%dma_start3A_109, %dma_start3A_113] : memref<32x768xf32, #tpu.memory_space<vmem>> -> memref<1x768xf32, #tpu.memory_space<vmem>>
    %dma_start3A_115 = tpu.memref_squeeze %dma_start3A_114 : memref<1x768xf32, #tpu.memory_space<vmem>> -> memref<768xf32, #tpu.memory_space<vmem>>
    tpu.enqueue_dma source(%arg4 : memref<768xf32, #tpu.memory_space<hbm>>) target(%dma_start3A_115 : memref<768xf32, #tpu.memory_space<vmem>>) target_semaphore(%arg10 : memref<!tpu.dma_semaphore, #tpu.memory_space<semaphore_mem>>)
    %dma_start3A_116 = arith.constant 16 : i32
    %dma_start3A_117 = arith.constant 0 : i32
    %dma_start3A_118 = tpu.memref_slice %arg9[%dma_start3A_116, %dma_start3A_117] : memref<32x768xf32, #tpu.memory_space<vmem>> -> memref<1x768xf32, #tpu.memory_space<vmem>>
    %dma_start3A_119 = tpu.memref_squeeze %dma_start3A_118 : memref<1x768xf32, #tpu.memory_space<vmem>> -> memref<768xf32, #tpu.memory_space<vmem>>
    %dma_start3A_120 = arith.constant 0 : i32
    %dma_start3A_121 = tpu.memref_slice %arg9[%dma_start3A_116, %dma_start3A_120] : memref<32x768xf32, #tpu.memory_space<vmem>> -> memref<1x768xf32, #tpu.memory_space<vmem>>
    %dma_start3A_122 = tpu.memref_squeeze %dma_start3A_121 : memref<1x768xf32, #tpu.memory_space<vmem>> -> memref<768xf32, #tpu.memory_space<vmem>>
    tpu.enqueue_dma source(%arg4 : memref<768xf32, #tpu.memory_space<hbm>>) target(%dma_start3A_122 : memref<768xf32, #tpu.memory_space<vmem>>) target_semaphore(%arg10 : memref<!tpu.dma_semaphore, #tpu.memory_space<semaphore_mem>>)
    %dma_start3A_123 = arith.constant 17 : i32
    %dma_start3A_124 = arith.constant 0 : i32
    %dma_start3A_125 = tpu.memref_slice %arg9[%dma_start3A_123, %dma_start3A_124] : memref<32x768xf32, #tpu.memory_space<vmem>> -> memref<1x768xf32, #tpu.memory_space<vmem>>
    %dma_start3A_126 = tpu.memref_squeeze %dma_start3A_125 : memref<1x768xf32, #tpu.memory_space<vmem>> -> memref<768xf32, #tpu.memory_space<vmem>>
    %dma_start3A_127 = arith.constant 0 : i32
    %dma_start3A_128 = tpu.memref_slice %arg9[%dma_start3A_123, %dma_start3A_127] : memref<32x768xf32, #tpu.memory_space<vmem>> -> memref<1x768xf32, #tpu.memory_space<vmem>>
    %dma_start3A_129 = tpu.memref_squeeze %dma_start3A_128 : memref<1x768xf32, #tpu.memory_space<vmem>> -> memref<768xf32, #tpu.memory_space<vmem>>
    tpu.enqueue_dma source(%arg4 : memref<768xf32, #tpu.memory_space<hbm>>) target(%dma_start3A_129 : memref<768xf32, #tpu.memory_space<vmem>>) target_semaphore(%arg10 : memref<!tpu.dma_semaphore, #tpu.memory_space<semaphore_mem>>)
    %dma_start3A_130 = arith.constant 18 : i32
    %dma_start3A_131 = arith.constant 0 : i32
    %dma_start3A_132 = tpu.memref_slice %arg9[%dma_start3A_130, %dma_start3A_131] : memref<32x768xf32, #tpu.memory_space<vmem>> -> memref<1x768xf32, #tpu.memory_space<vmem>>
    %dma_start3A_133 = tpu.memref_squeeze %dma_start3A_132 : memref<1x768xf32, #tpu.memory_space<vmem>> -> memref<768xf32, #tpu.memory_space<vmem>>
    %dma_start3A_134 = arith.constant 0 : i32
    %dma_start3A_135 = tpu.memref_slice %arg9[%dma_start3A_130, %dma_start3A_134] : memref<32x768xf32, #tpu.memory_space<vmem>> -> memref<1x768xf32, #tpu.memory_space<vmem>>
    %dma_start3A_136 = tpu.memref_squeeze %dma_start3A_135 : memref<1x768xf32, #tpu.memory_space<vmem>> -> memref<768xf32, #tpu.memory_space<vmem>>
    tpu.enqueue_dma source(%arg4 : memref<768xf32, #tpu.memory_space<hbm>>) target(%dma_start3A_136 : memref<768xf32, #tpu.memory_space<vmem>>) target_semaphore(%arg10 : memref<!tpu.dma_semaphore, #tpu.memory_space<semaphore_mem>>)
    %dma_start3A_137 = arith.constant 19 : i32
    %dma_start3A_138 = arith.constant 0 : i32
    %dma_start3A_139 = tpu.memref_slice %arg9[%dma_start3A_137, %dma_start3A_138] : memref<32x768xf32, #tpu.memory_space<vmem>> -> memref<1x768xf32, #tpu.memory_space<vmem>>
    %dma_start3A_140 = tpu.memref_squeeze %dma_start3A_139 : memref<1x768xf32, #tpu.memory_space<vmem>> -> memref<768xf32, #tpu.memory_space<vmem>>
    %dma_start3A_141 = arith.constant 0 : i32
    %dma_start3A_142 = tpu.memref_slice %arg9[%dma_start3A_137, %dma_start3A_141] : memref<32x768xf32, #tpu.memory_space<vmem>> -> memref<1x768xf32, #tpu.memory_space<vmem>>
    %dma_start3A_143 = tpu.memref_squeeze %dma_start3A_142 : memref<1x768xf32, #tpu.memory_space<vmem>> -> memref<768xf32, #tpu.memory_space<vmem>>
    tpu.enqueue_dma source(%arg4 : memref<768xf32, #tpu.memory_space<hbm>>) target(%dma_start3A_143 : memref<768xf32, #tpu.memory_space<vmem>>) target_semaphore(%arg10 : memref<!tpu.dma_semaphore, #tpu.memory_space<semaphore_mem>>)
    %dma_start3A_144 = arith.constant 20 : i32
    %dma_start3A_145 = arith.constant 0 : i32
    %dma_start3A_146 = tpu.memref_slice %arg9[%dma_start3A_144, %dma_start3A_145] : memref<32x768xf32, #tpu.memory_space<vmem>> -> memref<1x768xf32, #tpu.memory_space<vmem>>
    %dma_start3A_147 = tpu.memref_squeeze %dma_start3A_146 : memref<1x768xf32, #tpu.memory_space<vmem>> -> memref<768xf32, #tpu.memory_space<vmem>>
    %dma_start3A_148 = arith.constant 0 : i32
    %dma_start3A_149 = tpu.memref_slice %arg9[%dma_start3A_144, %dma_start3A_148] : memref<32x768xf32, #tpu.memory_space<vmem>> -> memref<1x768xf32, #tpu.memory_space<vmem>>
    %dma_start3A_150 = tpu.memref_squeeze %dma_start3A_149 : memref<1x768xf32, #tpu.memory_space<vmem>> -> memref<768xf32, #tpu.memory_space<vmem>>
    tpu.enqueue_dma source(%arg4 : memref<768xf32, #tpu.memory_space<hbm>>) target(%dma_start3A_150 : memref<768xf32, #tpu.memory_space<vmem>>) target_semaphore(%arg10 : memref<!tpu.dma_semaphore, #tpu.memory_space<semaphore_mem>>)
    %dma_start3A_151 = arith.constant 21 : i32
    %dma_start3A_152 = arith.constant 0 : i32
    %dma_start3A_153 = tpu.memref_slice %arg9[%dma_start3A_151, %dma_start3A_152] : memref<32x768xf32, #tpu.memory_space<vmem>> -> memref<1x768xf32, #tpu.memory_space<vmem>>
    %dma_start3A_154 = tpu.memref_squeeze %dma_start3A_153 : memref<1x768xf32, #tpu.memory_space<vmem>> -> memref<768xf32, #tpu.memory_space<vmem>>
    %dma_start3A_155 = arith.constant 0 : i32
    %dma_start3A_156 = tpu.memref_slice %arg9[%dma_start3A_151, %dma_start3A_155] : memref<32x768xf32, #tpu.memory_space<vmem>> -> memref<1x768xf32, #tpu.memory_space<vmem>>
    %dma_start3A_157 = tpu.memref_squeeze %dma_start3A_156 : memref<1x768xf32, #tpu.memory_space<vmem>> -> memref<768xf32, #tpu.memory_space<vmem>>
    tpu.enqueue_dma source(%arg4 : memref<768xf32, #tpu.memory_space<hbm>>) target(%dma_start3A_157 : memref<768xf32, #tpu.memory_space<vmem>>) target_semaphore(%arg10 : memref<!tpu.dma_semaphore, #tpu.memory_space<semaphore_mem>>)
    %dma_start3A_158 = arith.constant 22 : i32
    %dma_start3A_159 = arith.constant 0 : i32
    %dma_start3A_160 = tpu.memref_slice %arg9[%dma_start3A_158, %dma_start3A_159] : memref<32x768xf32, #tpu.memory_space<vmem>> -> memref<1x768xf32, #tpu.memory_space<vmem>>
    %dma_start3A_161 = tpu.memref_squeeze %dma_start3A_160 : memref<1x768xf32, #tpu.memory_space<vmem>> -> memref<768xf32, #tpu.memory_space<vmem>>
    %dma_start3A_162 = arith.constant 0 : i32
    %dma_start3A_163 = tpu.memref_slice %arg9[%dma_start3A_158, %dma_start3A_162] : memref<32x768xf32, #tpu.memory_space<vmem>> -> memref<1x768xf32, #tpu.memory_space<vmem>>
    %dma_start3A_164 = tpu.memref_squeeze %dma_start3A_163 : memref<1x768xf32, #tpu.memory_space<vmem>> -> memref<768xf32, #tpu.memory_space<vmem>>
    tpu.enqueue_dma source(%arg4 : memref<768xf32, #tpu.memory_space<hbm>>) target(%dma_start3A_164 : memref<768xf32, #tpu.memory_space<vmem>>) target_semaphore(%arg10 : memref<!tpu.dma_semaphore, #tpu.memory_space<semaphore_mem>>)
    %dma_start3A_165 = arith.constant 23 : i32
    %dma_start3A_166 = arith.constant 0 : i32
    %dma_start3A_167 = tpu.memref_slice %arg9[%dma_start3A_165, %dma_start3A_166] : memref<32x768xf32, #tpu.memory_space<vmem>> -> memref<1x768xf32, #tpu.memory_space<vmem>>
    %dma_start3A_168 = tpu.memref_squeeze %dma_start3A_167 : memref<1x768xf32, #tpu.memory_space<vmem>> -> memref<768xf32, #tpu.memory_space<vmem>>
    %dma_start3A_169 = arith.constant 0 : i32
    %dma_start3A_170 = tpu.memref_slice %arg9[%dma_start3A_165, %dma_start3A_169] : memref<32x768xf32, #tpu.memory_space<vmem>> -> memref<1x768xf32, #tpu.memory_space<vmem>>
    %dma_start3A_171 = tpu.memref_squeeze %dma_start3A_170 : memref<1x768xf32, #tpu.memory_space<vmem>> -> memref<768xf32, #tpu.memory_space<vmem>>
    tpu.enqueue_dma source(%arg4 : memref<768xf32, #tpu.memory_space<hbm>>) target(%dma_start3A_171 : memref<768xf32, #tpu.memory_space<vmem>>) target_semaphore(%arg10 : memref<!tpu.dma_semaphore, #tpu.memory_space<semaphore_mem>>)
    %dma_start3A_172 = arith.constant 24 : i32
    %dma_start3A_173 = arith.constant 0 : i32
    %dma_start3A_174 = tpu.memref_slice %arg9[%dma_start3A_172, %dma_start3A_173] : memref<32x768xf32, #tpu.memory_space<vmem>> -> memref<1x768xf32, #tpu.memory_space<vmem>>
    %dma_start3A_175 = tpu.memref_squeeze %dma_start3A_174 : memref<1x768xf32, #tpu.memory_space<vmem>> -> memref<768xf32, #tpu.memory_space<vmem>>
    %dma_start3A_176 = arith.constant 0 : i32
    %dma_start3A_177 = tpu.memref_slice %arg9[%dma_start3A_172, %dma_start3A_176] : memref<32x768xf32, #tpu.memory_space<vmem>> -> memref<1x768xf32, #tpu.memory_space<vmem>>
    %dma_start3A_178 = tpu.memref_squeeze %dma_start3A_177 : memref<1x768xf32, #tpu.memory_space<vmem>> -> memref<768xf32, #tpu.memory_space<vmem>>
    tpu.enqueue_dma source(%arg4 : memref<768xf32, #tpu.memory_space<hbm>>) target(%dma_start3A_178 : memref<768xf32, #tpu.memory_space<vmem>>) target_semaphore(%arg10 : memref<!tpu.dma_semaphore, #tpu.memory_space<semaphore_mem>>)
    %dma_start3A_179 = arith.constant 25 : i32
    %dma_start3A_180 = arith.constant 0 : i32
    %dma_start3A_181 = tpu.memref_slice %arg9[%dma_start3A_179, %dma_start3A_180] : memref<32x768xf32, #tpu.memory_space<vmem>> -> memref<1x768xf32, #tpu.memory_space<vmem>>
    %dma_start3A_182 = tpu.memref_squeeze %dma_start3A_181 : memref<1x768xf32, #tpu.memory_space<vmem>> -> memref<768xf32, #tpu.memory_space<vmem>>
    %dma_start3A_183 = arith.constant 0 : i32
    %dma_start3A_184 = tpu.memref_slice %arg9[%dma_start3A_179, %dma_start3A_183] : memref<32x768xf32, #tpu.memory_space<vmem>> -> memref<1x768xf32, #tpu.memory_space<vmem>>
    %dma_start3A_185 = tpu.memref_squeeze %dma_start3A_184 : memref<1x768xf32, #tpu.memory_space<vmem>> -> memref<768xf32, #tpu.memory_space<vmem>>
    tpu.enqueue_dma source(%arg4 : memref<768xf32, #tpu.memory_space<hbm>>) target(%dma_start3A_185 : memref<768xf32, #tpu.memory_space<vmem>>) target_semaphore(%arg10 : memref<!tpu.dma_semaphore, #tpu.memory_space<semaphore_mem>>)
    %dma_start3A_186 = arith.constant 26 : i32
    %dma_start3A_187 = arith.constant 0 : i32
    %dma_start3A_188 = tpu.memref_slice %arg9[%dma_start3A_186, %dma_start3A_187] : memref<32x768xf32, #tpu.memory_space<vmem>> -> memref<1x768xf32, #tpu.memory_space<vmem>>
    %dma_start3A_189 = tpu.memref_squeeze %dma_start3A_188 : memref<1x768xf32, #tpu.memory_space<vmem>> -> memref<768xf32, #tpu.memory_space<vmem>>
    %dma_start3A_190 = arith.constant 0 : i32
    %dma_start3A_191 = tpu.memref_slice %arg9[%dma_start3A_186, %dma_start3A_190] : memref<32x768xf32, #tpu.memory_space<vmem>> -> memref<1x768xf32, #tpu.memory_space<vmem>>
    %dma_start3A_192 = tpu.memref_squeeze %dma_start3A_191 : memref<1x768xf32, #tpu.memory_space<vmem>> -> memref<768xf32, #tpu.memory_space<vmem>>
    tpu.enqueue_dma source(%arg4 : memref<768xf32, #tpu.memory_space<hbm>>) target(%dma_start3A_192 : memref<768xf32, #tpu.memory_space<vmem>>) target_semaphore(%arg10 : memref<!tpu.dma_semaphore, #tpu.memory_space<semaphore_mem>>)
    %dma_start3A_193 = arith.constant 27 : i32
    %dma_start3A_194 = arith.constant 0 : i32
    %dma_start3A_195 = tpu.memref_slice %arg9[%dma_start3A_193, %dma_start3A_194] : memref<32x768xf32, #tpu.memory_space<vmem>> -> memref<1x768xf32, #tpu.memory_space<vmem>>
    %dma_start3A_196 = tpu.memref_squeeze %dma_start3A_195 : memref<1x768xf32, #tpu.memory_space<vmem>> -> memref<768xf32, #tpu.memory_space<vmem>>
    %dma_start3A_197 = arith.constant 0 : i32
    %dma_start3A_198 = tpu.memref_slice %arg9[%dma_start3A_193, %dma_start3A_197] : memref<32x768xf32, #tpu.memory_space<vmem>> -> memref<1x768xf32, #tpu.memory_space<vmem>>
    %dma_start3A_199 = tpu.memref_squeeze %dma_start3A_198 : memref<1x768xf32, #tpu.memory_space<vmem>> -> memref<768xf32, #tpu.memory_space<vmem>>
    tpu.enqueue_dma source(%arg4 : memref<768xf32, #tpu.memory_space<hbm>>) target(%dma_start3A_199 : memref<768xf32, #tpu.memory_space<vmem>>) target_semaphore(%arg10 : memref<!tpu.dma_semaphore, #tpu.memory_space<semaphore_mem>>)
    %dma_start3A_200 = arith.constant 28 : i32
    %dma_start3A_201 = arith.constant 0 : i32
    %dma_start3A_202 = tpu.memref_slice %arg9[%dma_start3A_200, %dma_start3A_201] : memref<32x768xf32, #tpu.memory_space<vmem>> -> memref<1x768xf32, #tpu.memory_space<vmem>>
    %dma_start3A_203 = tpu.memref_squeeze %dma_start3A_202 : memref<1x768xf32, #tpu.memory_space<vmem>> -> memref<768xf32, #tpu.memory_space<vmem>>
    %dma_start3A_204 = arith.constant 0 : i32
    %dma_start3A_205 = tpu.memref_slice %arg9[%dma_start3A_200, %dma_start3A_204] : memref<32x768xf32, #tpu.memory_space<vmem>> -> memref<1x768xf32, #tpu.memory_space<vmem>>
    %dma_start3A_206 = tpu.memref_squeeze %dma_start3A_205 : memref<1x768xf32, #tpu.memory_space<vmem>> -> memref<768xf32, #tpu.memory_space<vmem>>
    tpu.enqueue_dma source(%arg4 : memref<768xf32, #tpu.memory_space<hbm>>) target(%dma_start3A_206 : memref<768xf32, #tpu.memory_space<vmem>>) target_semaphore(%arg10 : memref<!tpu.dma_semaphore, #tpu.memory_space<semaphore_mem>>)
    %dma_start3A_207 = arith.constant 29 : i32
    %dma_start3A_208 = arith.constant 0 : i32
    %dma_start3A_209 = tpu.memref_slice %arg9[%dma_start3A_207, %dma_start3A_208] : memref<32x768xf32, #tpu.memory_space<vmem>> -> memref<1x768xf32, #tpu.memory_space<vmem>>
    %dma_start3A_210 = tpu.memref_squeeze %dma_start3A_209 : memref<1x768xf32, #tpu.memory_space<vmem>> -> memref<768xf32, #tpu.memory_space<vmem>>
    %dma_start3A_211 = arith.constant 0 : i32
    %dma_start3A_212 = tpu.memref_slice %arg9[%dma_start3A_207, %dma_start3A_211] : memref<32x768xf32, #tpu.memory_space<vmem>> -> memref<1x768xf32, #tpu.memory_space<vmem>>
    %dma_start3A_213 = tpu.memref_squeeze %dma_start3A_212 : memref<1x768xf32, #tpu.memory_space<vmem>> -> memref<768xf32, #tpu.memory_space<vmem>>
    tpu.enqueue_dma source(%arg4 : memref<768xf32, #tpu.memory_space<hbm>>) target(%dma_start3A_213 : memref<768xf32, #tpu.memory_space<vmem>>) target_semaphore(%arg10 : memref<!tpu.dma_semaphore, #tpu.memory_space<semaphore_mem>>)
    %dma_start3A_214 = arith.constant 30 : i32
    %dma_start3A_215 = arith.constant 0 : i32
    %dma_start3A_216 = tpu.memref_slice %arg9[%dma_start3A_214, %dma_start3A_215] : memref<32x768xf32, #tpu.memory_space<vmem>> -> memref<1x768xf32, #tpu.memory_space<vmem>>
    %dma_start3A_217 = tpu.memref_squeeze %dma_start3A_216 : memref<1x768xf32, #tpu.memory_space<vmem>> -> memref<768xf32, #tpu.memory_space<vmem>>
    %dma_start3A_218 = arith.constant 0 : i32
    %dma_start3A_219 = tpu.memref_slice %arg9[%dma_start3A_214, %dma_start3A_218] : memref<32x768xf32, #tpu.memory_space<vmem>> -> memref<1x768xf32, #tpu.memory_space<vmem>>
    %dma_start3A_220 = tpu.memref_squeeze %dma_start3A_219 : memref<1x768xf32, #tpu.memory_space<vmem>> -> memref<768xf32, #tpu.memory_space<vmem>>
    tpu.enqueue_dma source(%arg4 : memref<768xf32, #tpu.memory_space<hbm>>) target(%dma_start3A_220 : memref<768xf32, #tpu.memory_space<vmem>>) target_semaphore(%arg10 : memref<!tpu.dma_semaphore, #tpu.memory_space<semaphore_mem>>)
    %dma_start3A_221 = arith.constant 31 : i32
    %dma_start3A_222 = arith.constant 0 : i32
    %dma_start3A_223 = tpu.memref_slice %arg9[%dma_start3A_221, %dma_start3A_222] : memref<32x768xf32, #tpu.memory_space<vmem>> -> memref<1x768xf32, #tpu.memory_space<vmem>>
    %dma_start3A_224 = tpu.memref_squeeze %dma_start3A_223 : memref<1x768xf32, #tpu.memory_space<vmem>> -> memref<768xf32, #tpu.memory_space<vmem>>
    %dma_start3A_225 = arith.constant 0 : i32
    %dma_start3A_226 = tpu.memref_slice %arg9[%dma_start3A_221, %dma_start3A_225] : memref<32x768xf32, #tpu.memory_space<vmem>> -> memref<1x768xf32, #tpu.memory_space<vmem>>
    %dma_start3A_227 = tpu.memref_squeeze %dma_start3A_226 : memref<1x768xf32, #tpu.memory_space<vmem>> -> memref<768xf32, #tpu.memory_space<vmem>>
    tpu.enqueue_dma source(%arg4 : memref<768xf32, #tpu.memory_space<hbm>>) target(%dma_start3A_227 : memref<768xf32, #tpu.memory_space<vmem>>) target_semaphore(%arg10 : memref<!tpu.dma_semaphore, #tpu.memory_space<semaphore_mem>>)
    %broadcast_in_dim3A = vector.broadcast %add3A_4 : i32 to vector<16xi32>
    %swap3A = arith.constant 0 : i32
    %swap3A_228 = arith.index_cast %swap3A : i32 to index
    %swap3A_229 = arith.constant 0 : index
    %swap3A_230 = tpu.vector_load %arg7[%swap3A_228, %swap3A_229] {strides = array<i32>} : memref<32x32xi32, #tpu.memory_space<vmem>>, vector<16xi32>,
    tpu.vector_store %arg7[%swap3A_228, %swap3A_229], %broadcast_in_dim3A {strides = array<i32>} : memref<32x32xi32, #tpu.memory_space<vmem>>, vector<16xi32>,
    %swap3A_231 = arith.constant 0 : i32
    %swap3A_232 = arith.index_cast %swap3A_231 : i32 to index
    %swap3A_233 = arith.constant 16 : index
    %swap3A_234 = tpu.vector_load %arg7[%swap3A_232, %swap3A_233] {strides = array<i32>} : memref<32x32xi32, #tpu.memory_space<vmem>>, vector<16xi32>,
    tpu.vector_store %arg7[%swap3A_232, %swap3A_233], %broadcast_in_dim3A {strides = array<i32>} : memref<32x32xi32, #tpu.memory_space<vmem>>, vector<16xi32>,
    %swap3A_235 = arith.constant 1 : i32
    %swap3A_236 = arith.index_cast %swap3A_235 : i32 to index
    %swap3A_237 = arith.constant 0 : index
    %swap3A_238 = tpu.vector_load %arg7[%swap3A_236, %swap3A_237] {strides = array<i32>} : memref<32x32xi32, #tpu.memory_space<vmem>>, vector<16xi32>,
    tpu.vector_store %arg7[%swap3A_236, %swap3A_237], %broadcast_in_dim3A {strides = array<i32>} : memref<32x32xi32, #tpu.memory_space<vmem>>, vector<16xi32>,
    %swap3A_239 = arith.constant 1 : i32
    %swap3A_240 = arith.index_cast %swap3A_239 : i32 to index
    %swap3A_241 = arith.constant 16 : index
    %swap3A_242 = tpu.vector_load %arg7[%swap3A_240, %swap3A_241] {strides = array<i32>} : memref<32x32xi32, #tpu.memory_space<vmem>>, vector<16xi32>,
    tpu.vector_store %arg7[%swap3A_240, %swap3A_241], %broadcast_in_dim3A {strides = array<i32>} : memref<32x32xi32, #tpu.memory_space<vmem>>, vector<16xi32>,
    %swap3A_243 = arith.constant 2 : i32
    %swap3A_244 = arith.index_cast %swap3A_243 : i32 to index
    %swap3A_245 = arith.constant 0 : index
    %swap3A_246 = tpu.vector_load %arg7[%swap3A_244, %swap3A_245] {strides = array<i32>} : memref<32x32xi32, #tpu.memory_space<vmem>>, vector<16xi32>,
    tpu.vector_store %arg7[%swap3A_244, %swap3A_245], %broadcast_in_dim3A {strides = array<i32>} : memref<32x32xi32, #tpu.memory_space<vmem>>, vector<16xi32>,
    %swap3A_247 = arith.constant 2 : i32
    %swap3A_248 = arith.index_cast %swap3A_247 : i32 to index
    %swap3A_249 = arith.constant 16 : index
    %swap3A_250 = tpu.vector_load %arg7[%swap3A_248, %swap3A_249] {strides = array<i32>} : memref<32x32xi32, #tpu.memory_space<vmem>>, vector<16xi32>,
    tpu.vector_store %arg7[%swap3A_248, %swap3A_249], %broadcast_in_dim3A {strides = array<i32>} : memref<32x32xi32, #tpu.memory_space<vmem>>, vector<16xi32>,
    %swap3A_251 = arith.constant 3 : i32
    %swap3A_252 = arith.index_cast %swap3A_251 : i32 to index
    %swap3A_253 = arith.constant 0 : index
    %swap3A_254 = tpu.vector_load %arg7[%swap3A_252, %swap3A_253] {strides = array<i32>} : memref<32x32xi32, #tpu.memory_space<vmem>>, vector<16xi32>,
    tpu.vector_store %arg7[%swap3A_252, %swap3A_253], %broadcast_in_dim3A {strides = array<i32>} : memref<32x32xi32, #tpu.memory_space<vmem>>, vector<16xi32>,
    %swap3A_255 = arith.constant 3 : i32
    %swap3A_256 = arith.index_cast %swap3A_255 : i32 to index
    %swap3A_257 = arith.constant 16 : index
    %swap3A_258 = tpu.vector_load %arg7[%swap3A_256, %swap3A_257] {strides = array<i32>} : memref<32x32xi32, #tpu.memory_space<vmem>>, vector<16xi32>,
    tpu.vector_store %arg7[%swap3A_256, %swap3A_257], %broadcast_in_dim3A {strides = array<i32>} : memref<32x32xi32, #tpu.memory_space<vmem>>, vector<16xi32>,
    %swap3A_259 = arith.constant 4 : i32
    %swap3A_260 = arith.index_cast %swap3A_259 : i32 to index
    %swap3A_261 = arith.constant 0 : index
    %swap3A_262 = tpu.vector_load %arg7[%swap3A_260, %swap3A_261] {strides = array<i32>} : memref<32x32xi32, #tpu.memory_space<vmem>>, vector<16xi32>,
    tpu.vector_store %arg7[%swap3A_260, %swap3A_261], %broadcast_in_dim3A {strides = array<i32>} : memref<32x32xi32, #tpu.memory_space<vmem>>, vector<16xi32>,
    %swap3A_263 = arith.constant 4 : i32
    %swap3A_264 = arith.index_cast %swap3A_263 : i32 to index
    %swap3A_265 = arith.constant 16 : index
    %swap3A_266 = tpu.vector_load %arg7[%swap3A_264, %swap3A_265] {strides = array<i32>} : memref<32x32xi32, #tpu.memory_space<vmem>>, vector<16xi32>,
    tpu.vector_store %arg7[%swap3A_264, %swap3A_265], %broadcast_in_dim3A {strides = array<i32>} : memref<32x32xi32, #tpu.memory_space<vmem>>, vector<16xi32>,
    %swap3A_267 = arith.constant 5 : i32
    %swap3A_268 = arith.index_cast %swap3A_267 : i32 to index
    %swap3A_269 = arith.constant 0 : index
    %swap3A_270 = tpu.vector_load %arg7[%swap3A_268, %swap3A_269] {strides = array<i32>} : memref<32x32xi32, #tpu.memory_space<vmem>>, vector<16xi32>,
    tpu.vector_store %arg7[%swap3A_268, %swap3A_269], %broadcast_in_dim3A {strides = array<i32>} : memref<32x32xi32, #tpu.memory_space<vmem>>, vector<16xi32>,
    %swap3A_271 = arith.constant 5 : i32
    %swap3A_272 = arith.index_cast %swap3A_271 : i32 to index
    %swap3A_273 = arith.constant 16 : index
    %swap3A_274 = tpu.vector_load %arg7[%swap3A_272, %swap3A_273] {strides = array<i32>} : memref<32x32xi32, #tpu.memory_space<vmem>>, vector<16xi32>,
    tpu.vector_store %arg7[%swap3A_272, %swap3A_273], %broadcast_in_dim3A {strides = array<i32>} : memref<32x32xi32, #tpu.memory_space<vmem>>, vector<16xi32>,
    %swap3A_275 = arith.constant 6 : i32
    %swap3A_276 = arith.index_cast %swap3A_275 : i32 to index
    %swap3A_277 = arith.constant 0 : index
    %swap3A_278 = tpu.vector_load %arg7[%swap3A_276, %swap3A_277] {strides = array<i32>} : memref<32x32xi32, #tpu.memory_space<vmem>>, vector<16xi32>,
    tpu.vector_store %arg7[%swap3A_276, %swap3A_277], %broadcast_in_dim3A {strides = array<i32>} : memref<32x32xi32, #tpu.memory_space<vmem>>, vector<16xi32>,
    %swap3A_279 = arith.constant 6 : i32
    %swap3A_280 = arith.index_cast %swap3A_279 : i32 to index
    %swap3A_281 = arith.constant 16 : index
    %swap3A_282 = tpu.vector_load %arg7[%swap3A_280, %swap3A_281] {strides = array<i32>} : memref<32x32xi32, #tpu.memory_space<vmem>>, vector<16xi32>,
    tpu.vector_store %arg7[%swap3A_280, %swap3A_281], %broadcast_in_dim3A {strides = array<i32>} : memref<32x32xi32, #tpu.memory_space<vmem>>, vector<16xi32>,
    %swap3A_283 = arith.constant 7 : i32
    %swap3A_284 = arith.index_cast %swap3A_283 : i32 to index
    %swap3A_285 = arith.constant 0 : index
    %swap3A_286 = tpu.vector_load %arg7[%swap3A_284, %swap3A_285] {strides = array<i32>} : memref<32x32xi32, #tpu.memory_space<vmem>>, vector<16xi32>,
    tpu.vector_store %arg7[%swap3A_284, %swap3A_285], %broadcast_in_dim3A {strides = array<i32>} : memref<32x32xi32, #tpu.memory_space<vmem>>, vector<16xi32>,
    %swap3A_287 = arith.constant 7 : i32
    %swap3A_288 = arith.index_cast %swap3A_287 : i32 to index
    %swap3A_289 = arith.constant 16 : index
    %swap3A_290 = tpu.vector_load %arg7[%swap3A_288, %swap3A_289] {strides = array<i32>} : memref<32x32xi32, #tpu.memory_space<vmem>>, vector<16xi32>,
    tpu.vector_store %arg7[%swap3A_288, %swap3A_289], %broadcast_in_dim3A {strides = array<i32>} : memref<32x32xi32, #tpu.memory_space<vmem>>, vector<16xi32>,
    %swap3A_291 = arith.constant 8 : i32
    %swap3A_292 = arith.index_cast %swap3A_291 : i32 to index
    %swap3A_293 = arith.constant 0 : index
    %swap3A_294 = tpu.vector_load %arg7[%swap3A_292, %swap3A_293] {strides = array<i32>} : memref<32x32xi32, #tpu.memory_space<vmem>>, vector<16xi32>,
    tpu.vector_store %arg7[%swap3A_292, %swap3A_293], %broadcast_in_dim3A {strides = array<i32>} : memref<32x32xi32, #tpu.memory_space<vmem>>, vector<16xi32>,
    %swap3A_295 = arith.constant 8 : i32
    %swap3A_296 = arith.index_cast %swap3A_295 : i32 to index
    %swap3A_297 = arith.constant 16 : index
    %swap3A_298 = tpu.vector_load %arg7[%swap3A_296, %swap3A_297] {strides = array<i32>} : memref<32x32xi32, #tpu.memory_space<vmem>>, vector<16xi32>,
    tpu.vector_store %arg7[%swap3A_296, %swap3A_297], %broadcast_in_dim3A {strides = array<i32>} : memref<32x32xi32, #tpu.memory_space<vmem>>, vector<16xi32>,
    %swap3A_299 = arith.constant 9 : i32
    %swap3A_300 = arith.index_cast %swap3A_299 : i32 to index
    %swap3A_301 = arith.constant 0 : index
    %swap3A_302 = tpu.vector_load %arg7[%swap3A_300, %swap3A_301] {strides = array<i32>} : memref<32x32xi32, #tpu.memory_space<vmem>>, vector<16xi32>,
    tpu.vector_store %arg7[%swap3A_300, %swap3A_301], %broadcast_in_dim3A {strides = array<i32>} : memref<32x32xi32, #tpu.memory_space<vmem>>, vector<16xi32>,
    %swap3A_303 = arith.constant 9 : i32
    %swap3A_304 = arith.index_cast %swap3A_303 : i32 to index
    %swap3A_305 = arith.constant 16 : index
    %swap3A_306 = tpu.vector_load %arg7[%swap3A_304, %swap3A_305] {strides = array<i32>} : memref<32x32xi32, #tpu.memory_space<vmem>>, vector<16xi32>,
    tpu.vector_store %arg7[%swap3A_304, %swap3A_305], %broadcast_in_dim3A {strides = array<i32>} : memref<32x32xi32, #tpu.memory_space<vmem>>, vector<16xi32>,
    %swap3A_307 = arith.constant 10 : i32
    %swap3A_308 = arith.index_cast %swap3A_307 : i32 to index
    %swap3A_309 = arith.constant 0 : index
    %swap3A_310 = tpu.vector_load %arg7[%swap3A_308, %swap3A_309] {strides = array<i32>} : memref<32x32xi32, #tpu.memory_space<vmem>>, vector<16xi32>,
    tpu.vector_store %arg7[%swap3A_308, %swap3A_309], %broadcast_in_dim3A {strides = array<i32>} : memref<32x32xi32, #tpu.memory_space<vmem>>, vector<16xi32>,
    %swap3A_311 = arith.constant 10 : i32
    %swap3A_312 = arith.index_cast %swap3A_311 : i32 to index
    %swap3A_313 = arith.constant 16 : index
    %swap3A_314 = tpu.vector_load %arg7[%swap3A_312, %swap3A_313] {strides = array<i32>} : memref<32x32xi32, #tpu.memory_space<vmem>>, vector<16xi32>,
    tpu.vector_store %arg7[%swap3A_312, %swap3A_313], %broadcast_in_dim3A {strides = array<i32>} : memref<32x32xi32, #tpu.memory_space<vmem>>, vector<16xi32>,
    %swap3A_315 = arith.constant 11 : i32
    %swap3A_316 = arith.index_cast %swap3A_315 : i32 to index
    %swap3A_317 = arith.constant 0 : index
    %swap3A_318 = tpu.vector_load %arg7[%swap3A_316, %swap3A_317] {strides = array<i32>} : memref<32x32xi32, #tpu.memory_space<vmem>>, vector<16xi32>,
    tpu.vector_store %arg7[%swap3A_316, %swap3A_317], %broadcast_in_dim3A {strides = array<i32>} : memref<32x32xi32, #tpu.memory_space<vmem>>, vector<16xi32>,
    %swap3A_319 = arith.constant 11 : i32
    %swap3A_320 = arith.index_cast %swap3A_319 : i32 to index
    %swap3A_321 = arith.constant 16 : index
    %swap3A_322 = tpu.vector_load %arg7[%swap3A_320, %swap3A_321] {strides = array<i32>} : memref<32x32xi32, #tpu.memory_space<vmem>>, vector<16xi32>,
    tpu.vector_store %arg7[%swap3A_320, %swap3A_321], %broadcast_in_dim3A {strides = array<i32>} : memref<32x32xi32, #tpu.memory_space<vmem>>, vector<16xi32>,
    %swap3A_323 = arith.constant 12 : i32
    %swap3A_324 = arith.index_cast %swap3A_323 : i32 to index
    %swap3A_325 = arith.constant 0 : index
    %swap3A_326 = tpu.vector_load %arg7[%swap3A_324, %swap3A_325] {strides = array<i32>} : memref<32x32xi32, #tpu.memory_space<vmem>>, vector<16xi32>,
    tpu.vector_store %arg7[%swap3A_324, %swap3A_325], %broadcast_in_dim3A {strides = array<i32>} : memref<32x32xi32, #tpu.memory_space<vmem>>, vector<16xi32>,
    %swap3A_327 = arith.constant 12 : i32
    %swap3A_328 = arith.index_cast %swap3A_327 : i32 to index
    %swap3A_329 = arith.constant 16 : index
    %swap3A_330 = tpu.vector_load %arg7[%swap3A_328, %swap3A_329] {strides = array<i32>} : memref<32x32xi32, #tpu.memory_space<vmem>>, vector<16xi32>,
    tpu.vector_store %arg7[%swap3A_328, %swap3A_329], %broadcast_in_dim3A {strides = array<i32>} : memref<32x32xi32, #tpu.memory_space<vmem>>, vector<16xi32>,
    %swap3A_331 = arith.constant 13 : i32
    %swap3A_332 = arith.index_cast %swap3A_331 : i32 to index
    %swap3A_333 = arith.constant 0 : index
    %swap3A_334 = tpu.vector_load %arg7[%swap3A_332, %swap3A_333] {strides = array<i32>} : memref<32x32xi32, #tpu.memory_space<vmem>>, vector<16xi32>,
    tpu.vector_store %arg7[%swap3A_332, %swap3A_333], %broadcast_in_dim3A {strides = array<i32>} : memref<32x32xi32, #tpu.memory_space<vmem>>, vector<16xi32>,
    %swap3A_335 = arith.constant 13 : i32
    %swap3A_336 = arith.index_cast %swap3A_335 : i32 to index
    %swap3A_337 = arith.constant 16 : index
    %swap3A_338 = tpu.vector_load %arg7[%swap3A_336, %swap3A_337] {strides = array<i32>} : memref<32x32xi32, #tpu.memory_space<vmem>>, vector<16xi32>,
    tpu.vector_store %arg7[%swap3A_336, %swap3A_337], %broadcast_in_dim3A {strides = array<i32>} : memref<32x32xi32, #tpu.memory_space<vmem>>, vector<16xi32>,
    %swap3A_339 = arith.constant 14 : i32
    %swap3A_340 = arith.index_cast %swap3A_339 : i32 to index
    %swap3A_341 = arith.constant 0 : index
    %swap3A_342 = tpu.vector_load %arg7[%swap3A_340, %swap3A_341] {strides = array<i32>} : memref<32x32xi32, #tpu.memory_space<vmem>>, vector<16xi32>,
    tpu.vector_store %arg7[%swap3A_340, %swap3A_341], %broadcast_in_dim3A {strides = array<i32>} : memref<32x32xi32, #tpu.memory_space<vmem>>, vector<16xi32>,
    %swap3A_343 = arith.constant 14 : i32
    %swap3A_344 = arith.index_cast %swap3A_343 : i32 to index
    %swap3A_345 = arith.constant 16 : index
    %swap3A_346 = tpu.vector_load %arg7[%swap3A_344, %swap3A_345] {strides = array<i32>} : memref<32x32xi32, #tpu.memory_space<vmem>>, vector<16xi32>,
    tpu.vector_store %arg7[%swap3A_344, %swap3A_345], %broadcast_in_dim3A {strides = array<i32>} : memref<32x32xi32, #tpu.memory_space<vmem>>, vector<16xi32>,
    %swap3A_347 = arith.constant 15 : i32
    %swap3A_348 = arith.index_cast %swap3A_347 : i32 to index
    %swap3A_349 = arith.constant 0 : index
    %swap3A_350 = tpu.vector_load %arg7[%swap3A_348, %swap3A_349] {strides = array<i32>} : memref<32x32xi32, #tpu.memory_space<vmem>>, vector<16xi32>,
    tpu.vector_store %arg7[%swap3A_348, %swap3A_349], %broadcast_in_dim3A {strides = array<i32>} : memref<32x32xi32, #tpu.memory_space<vmem>>, vector<16xi32>,
    %swap3A_351 = arith.constant 15 : i32
    %swap3A_352 = arith.index_cast %swap3A_351 : i32 to index
    %swap3A_353 = arith.constant 16 : index
    %swap3A_354 = tpu.vector_load %arg7[%swap3A_352, %swap3A_353] {strides = array<i32>} : memref<32x32xi32, #tpu.memory_space<vmem>>, vector<16xi32>,
    tpu.vector_store %arg7[%swap3A_352, %swap3A_353], %broadcast_in_dim3A {strides = array<i32>} : memref<32x32xi32, #tpu.memory_space<vmem>>, vector<16xi32>,
    %swap3A_355 = arith.constant 16 : i32
    %swap3A_356 = arith.index_cast %swap3A_355 : i32 to index
    %swap3A_357 = arith.constant 0 : index
    %swap3A_358 = tpu.vector_load %arg7[%swap3A_356, %swap3A_357] {strides = array<i32>} : memref<32x32xi32, #tpu.memory_space<vmem>>, vector<16xi32>,
    tpu.vector_store %arg7[%swap3A_356, %swap3A_357], %broadcast_in_dim3A {strides = array<i32>} : memref<32x32xi32, #tpu.memory_space<vmem>>, vector<16xi32>,
    %swap3A_359 = arith.constant 16 : i32
    %swap3A_360 = arith.index_cast %swap3A_359 : i32 to index
    %swap3A_361 = arith.constant 16 : index
    %swap3A_362 = tpu.vector_load %arg7[%swap3A_360, %swap3A_361] {strides = array<i32>} : memref<32x32xi32, #tpu.memory_space<vmem>>, vector<16xi32>,
    tpu.vector_store %arg7[%swap3A_360, %swap3A_361], %broadcast_in_dim3A {strides = array<i32>} : memref<32x32xi32, #tpu.memory_space<vmem>>, vector<16xi32>,
    %swap3A_363 = arith.constant 17 : i32
    %swap3A_364 = arith.index_cast %swap3A_363 : i32 to index
    %swap3A_365 = arith.constant 0 : index
    %swap3A_366 = tpu.vector_load %arg7[%swap3A_364, %swap3A_365] {strides = array<i32>} : memref<32x32xi32, #tpu.memory_space<vmem>>, vector<16xi32>,
    tpu.vector_store %arg7[%swap3A_364, %swap3A_365], %broadcast_in_dim3A {strides = array<i32>} : memref<32x32xi32, #tpu.memory_space<vmem>>, vector<16xi32>,
    %swap3A_367 = arith.constant 17 : i32
    %swap3A_368 = arith.index_cast %swap3A_367 : i32 to index
    %swap3A_369 = arith.constant 16 : index
    %swap3A_370 = tpu.vector_load %arg7[%swap3A_368, %swap3A_369] {strides = array<i32>} : memref<32x32xi32, #tpu.memory_space<vmem>>, vector<16xi32>,
    tpu.vector_store %arg7[%swap3A_368, %swap3A_369], %broadcast_in_dim3A {strides = array<i32>} : memref<32x32xi32, #tpu.memory_space<vmem>>, vector<16xi32>,
    %swap3A_371 = arith.constant 18 : i32
    %swap3A_372 = arith.index_cast %swap3A_371 : i32 to index
    %swap3A_373 = arith.constant 0 : index
    %swap3A_374 = tpu.vector_load %arg7[%swap3A_372, %swap3A_373] {strides = array<i32>} : memref<32x32xi32, #tpu.memory_space<vmem>>, vector<16xi32>,
    tpu.vector_store %arg7[%swap3A_372, %swap3A_373], %broadcast_in_dim3A {strides = array<i32>} : memref<32x32xi32, #tpu.memory_space<vmem>>, vector<16xi32>,
    %swap3A_375 = arith.constant 18 : i32
    %swap3A_376 = arith.index_cast %swap3A_375 : i32 to index
    %swap3A_377 = arith.constant 16 : index
    %swap3A_378 = tpu.vector_load %arg7[%swap3A_376, %swap3A_377] {strides = array<i32>} : memref<32x32xi32, #tpu.memory_space<vmem>>, vector<16xi32>,
    tpu.vector_store %arg7[%swap3A_376, %swap3A_377], %broadcast_in_dim3A {strides = array<i32>} : memref<32x32xi32, #tpu.memory_space<vmem>>, vector<16xi32>,
    %swap3A_379 = arith.constant 19 : i32
    %swap3A_380 = arith.index_cast %swap3A_379 : i32 to index
    %swap3A_381 = arith.constant 0 : index
    %swap3A_382 = tpu.vector_load %arg7[%swap3A_380, %swap3A_381] {strides = array<i32>} : memref<32x32xi32, #tpu.memory_space<vmem>>, vector<16xi32>,
    tpu.vector_store %arg7[%swap3A_380, %swap3A_381], %broadcast_in_dim3A {strides = array<i32>} : memref<32x32xi32, #tpu.memory_space<vmem>>, vector<16xi32>,
    %swap3A_383 = arith.constant 19 : i32
    %swap3A_384 = arith.index_cast %swap3A_383 : i32 to index
    %swap3A_385 = arith.constant 16 : index
    %swap3A_386 = tpu.vector_load %arg7[%swap3A_384, %swap3A_385] {strides = array<i32>} : memref<32x32xi32, #tpu.memory_space<vmem>>, vector<16xi32>,
    tpu.vector_store %arg7[%swap3A_384, %swap3A_385], %broadcast_in_dim3A {strides = array<i32>} : memref<32x32xi32, #tpu.memory_space<vmem>>, vector<16xi32>,
    %swap3A_387 = arith.constant 20 : i32
    %swap3A_388 = arith.index_cast %swap3A_387 : i32 to index
    %swap3A_389 = arith.constant 0 : index
    %swap3A_390 = tpu.vector_load %arg7[%swap3A_388, %swap3A_389] {strides = array<i32>} : memref<32x32xi32, #tpu.memory_space<vmem>>, vector<16xi32>,
    tpu.vector_store %arg7[%swap3A_388, %swap3A_389], %broadcast_in_dim3A {strides = array<i32>} : memref<32x32xi32, #tpu.memory_space<vmem>>, vector<16xi32>,
    %swap3A_391 = arith.constant 20 : i32
    %swap3A_392 = arith.index_cast %swap3A_391 : i32 to index
    %swap3A_393 = arith.constant 16 : index
    %swap3A_394 = tpu.vector_load %arg7[%swap3A_392, %swap3A_393] {strides = array<i32>} : memref<32x32xi32, #tpu.memory_space<vmem>>, vector<16xi32>,
    tpu.vector_store %arg7[%swap3A_392, %swap3A_393], %broadcast_in_dim3A {strides = array<i32>} : memref<32x32xi32, #tpu.memory_space<vmem>>, vector<16xi32>,
    %swap3A_395 = arith.constant 21 : i32
    %swap3A_396 = arith.index_cast %swap3A_395 : i32 to index
    %swap3A_397 = arith.constant 0 : index
    %swap3A_398 = tpu.vector_load %arg7[%swap3A_396, %swap3A_397] {strides = array<i32>} : memref<32x32xi32, #tpu.memory_space<vmem>>, vector<16xi32>,
    tpu.vector_store %arg7[%swap3A_396, %swap3A_397], %broadcast_in_dim3A {strides = array<i32>} : memref<32x32xi32, #tpu.memory_space<vmem>>, vector<16xi32>,
    %swap3A_399 = arith.constant 21 : i32
    %swap3A_400 = arith.index_cast %swap3A_399 : i32 to index
    %swap3A_401 = arith.constant 16 : index
    %swap3A_402 = tpu.vector_load %arg7[%swap3A_400, %swap3A_401] {strides = array<i32>} : memref<32x32xi32, #tpu.memory_space<vmem>>, vector<16xi32>,
    tpu.vector_store %arg7[%swap3A_400, %swap3A_401], %broadcast_in_dim3A {strides = array<i32>} : memref<32x32xi32, #tpu.memory_space<vmem>>, vector<16xi32>,
    %swap3A_403 = arith.constant 22 : i32
    %swap3A_404 = arith.index_cast %swap3A_403 : i32 to index
    %swap3A_405 = arith.constant 0 : index
    %swap3A_406 = tpu.vector_load %arg7[%swap3A_404, %swap3A_405] {strides = array<i32>} : memref<32x32xi32, #tpu.memory_space<vmem>>, vector<16xi32>,
    tpu.vector_store %arg7[%swap3A_404, %swap3A_405], %broadcast_in_dim3A {strides = array<i32>} : memref<32x32xi32, #tpu.memory_space<vmem>>, vector<16xi32>,
    %swap3A_407 = arith.constant 22 : i32
    %swap3A_408 = arith.index_cast %swap3A_407 : i32 to index
    %swap3A_409 = arith.constant 16 : index
    %swap3A_410 = tpu.vector_load %arg7[%swap3A_408, %swap3A_409] {strides = array<i32>} : memref<32x32xi32, #tpu.memory_space<vmem>>, vector<16xi32>,
    tpu.vector_store %arg7[%swap3A_408, %swap3A_409], %broadcast_in_dim3A {strides = array<i32>} : memref<32x32xi32, #tpu.memory_space<vmem>>, vector<16xi32>,
    %swap3A_411 = arith.constant 23 : i32
    %swap3A_412 = arith.index_cast %swap3A_411 : i32 to index
    %swap3A_413 = arith.constant 0 : index
    %swap3A_414 = tpu.vector_load %arg7[%swap3A_412, %swap3A_413] {strides = array<i32>} : memref<32x32xi32, #tpu.memory_space<vmem>>, vector<16xi32>,
    tpu.vector_store %arg7[%swap3A_412, %swap3A_413], %broadcast_in_dim3A {strides = array<i32>} : memref<32x32xi32, #tpu.memory_space<vmem>>, vector<16xi32>,
    %swap3A_415 = arith.constant 23 : i32
    %swap3A_416 = arith.index_cast %swap3A_415 : i32 to index
    %swap3A_417 = arith.constant 16 : index
    %swap3A_418 = tpu.vector_load %arg7[%swap3A_416, %swap3A_417] {strides = array<i32>} : memref<32x32xi32, #tpu.memory_space<vmem>>, vector<16xi32>,
    tpu.vector_store %arg7[%swap3A_416, %swap3A_417], %broadcast_in_dim3A {strides = array<i32>} : memref<32x32xi32, #tpu.memory_space<vmem>>, vector<16xi32>,
    %swap3A_419 = arith.constant 24 : i32
    %swap3A_420 = arith.index_cast %swap3A_419 : i32 to index
    %swap3A_421 = arith.constant 0 : index
    %swap3A_422 = tpu.vector_load %arg7[%swap3A_420, %swap3A_421] {strides = array<i32>} : memref<32x32xi32, #tpu.memory_space<vmem>>, vector<16xi32>,
    tpu.vector_store %arg7[%swap3A_420, %swap3A_421], %broadcast_in_dim3A {strides = array<i32>} : memref<32x32xi32, #tpu.memory_space<vmem>>, vector<16xi32>,
    %swap3A_423 = arith.constant 24 : i32
    %swap3A_424 = arith.index_cast %swap3A_423 : i32 to index
    %swap3A_425 = arith.constant 16 : index
    %swap3A_426 = tpu.vector_load %arg7[%swap3A_424, %swap3A_425] {strides = array<i32>} : memref<32x32xi32, #tpu.memory_space<vmem>>, vector<16xi32>,
    tpu.vector_store %arg7[%swap3A_424, %swap3A_425], %broadcast_in_dim3A {strides = array<i32>} : memref<32x32xi32, #tpu.memory_space<vmem>>, vector<16xi32>,
    %swap3A_427 = arith.constant 25 : i32
    %swap3A_428 = arith.index_cast %swap3A_427 : i32 to index
    %swap3A_429 = arith.constant 0 : index
    %swap3A_430 = tpu.vector_load %arg7[%swap3A_428, %swap3A_429] {strides = array<i32>} : memref<32x32xi32, #tpu.memory_space<vmem>>, vector<16xi32>,
    tpu.vector_store %arg7[%swap3A_428, %swap3A_429], %broadcast_in_dim3A {strides = array<i32>} : memref<32x32xi32, #tpu.memory_space<vmem>>, vector<16xi32>,
    %swap3A_431 = arith.constant 25 : i32
    %swap3A_432 = arith.index_cast %swap3A_431 : i32 to index
    %swap3A_433 = arith.constant 16 : index
    %swap3A_434 = tpu.vector_load %arg7[%swap3A_432, %swap3A_433] {strides = array<i32>} : memref<32x32xi32, #tpu.memory_space<vmem>>, vector<16xi32>,
    tpu.vector_store %arg7[%swap3A_432, %swap3A_433], %broadcast_in_dim3A {strides = array<i32>} : memref<32x32xi32, #tpu.memory_space<vmem>>, vector<16xi32>,
    %swap3A_435 = arith.constant 26 : i32
    %swap3A_436 = arith.index_cast %swap3A_435 : i32 to index
    %swap3A_437 = arith.constant 0 : index
    %swap3A_438 = tpu.vector_load %arg7[%swap3A_436, %swap3A_437] {strides = array<i32>} : memref<32x32xi32, #tpu.memory_space<vmem>>, vector<16xi32>,
    tpu.vector_store %arg7[%swap3A_436, %swap3A_437], %broadcast_in_dim3A {strides = array<i32>} : memref<32x32xi32, #tpu.memory_space<vmem>>, vector<16xi32>,
    %swap3A_439 = arith.constant 26 : i32
    %swap3A_440 = arith.index_cast %swap3A_439 : i32 to index
    %swap3A_441 = arith.constant 16 : index
    %swap3A_442 = tpu.vector_load %arg7[%swap3A_440, %swap3A_441] {strides = array<i32>} : memref<32x32xi32, #tpu.memory_space<vmem>>, vector<16xi32>,
    tpu.vector_store %arg7[%swap3A_440, %swap3A_441], %broadcast_in_dim3A {strides = array<i32>} : memref<32x32xi32, #tpu.memory_space<vmem>>, vector<16xi32>,
    %swap3A_443 = arith.constant 27 : i32
    %swap3A_444 = arith.index_cast %swap3A_443 : i32 to index
    %swap3A_445 = arith.constant 0 : index
    %swap3A_446 = tpu.vector_load %arg7[%swap3A_444, %swap3A_445] {strides = array<i32>} : memref<32x32xi32, #tpu.memory_space<vmem>>, vector<16xi32>,
    tpu.vector_store %arg7[%swap3A_444, %swap3A_445], %broadcast_in_dim3A {strides = array<i32>} : memref<32x32xi32, #tpu.memory_space<vmem>>, vector<16xi32>,
    %swap3A_447 = arith.constant 27 : i32
    %swap3A_448 = arith.index_cast %swap3A_447 : i32 to index
    %swap3A_449 = arith.constant 16 : index
    %swap3A_450 = tpu.vector_load %arg7[%swap3A_448, %swap3A_449] {strides = array<i32>} : memref<32x32xi32, #tpu.memory_space<vmem>>, vector<16xi32>,
    tpu.vector_store %arg7[%swap3A_448, %swap3A_449], %broadcast_in_dim3A {strides = array<i32>} : memref<32x32xi32, #tpu.memory_space<vmem>>, vector<16xi32>,
    %swap3A_451 = arith.constant 28 : i32
    %swap3A_452 = arith.index_cast %swap3A_451 : i32 to index
    %swap3A_453 = arith.constant 0 : index
    %swap3A_454 = tpu.vector_load %arg7[%swap3A_452, %swap3A_453] {strides = array<i32>} : memref<32x32xi32, #tpu.memory_space<vmem>>, vector<16xi32>,
    tpu.vector_store %arg7[%swap3A_452, %swap3A_453], %broadcast_in_dim3A {strides = array<i32>} : memref<32x32xi32, #tpu.memory_space<vmem>>, vector<16xi32>,
    %swap3A_455 = arith.constant 28 : i32
    %swap3A_456 = arith.index_cast %swap3A_455 : i32 to index
    %swap3A_457 = arith.constant 16 : index
    %swap3A_458 = tpu.vector_load %arg7[%swap3A_456, %swap3A_457] {strides = array<i32>} : memref<32x32xi32, #tpu.memory_space<vmem>>, vector<16xi32>,
    tpu.vector_store %arg7[%swap3A_456, %swap3A_457], %broadcast_in_dim3A {strides = array<i32>} : memref<32x32xi32, #tpu.memory_space<vmem>>, vector<16xi32>,
    %swap3A_459 = arith.constant 29 : i32
    %swap3A_460 = arith.index_cast %swap3A_459 : i32 to index
    %swap3A_461 = arith.constant 0 : index
    %swap3A_462 = tpu.vector_load %arg7[%swap3A_460, %swap3A_461] {strides = array<i32>} : memref<32x32xi32, #tpu.memory_space<vmem>>, vector<16xi32>,
    tpu.vector_store %arg7[%swap3A_460, %swap3A_461], %broadcast_in_dim3A {strides = array<i32>} : memref<32x32xi32, #tpu.memory_space<vmem>>, vector<16xi32>,
    %swap3A_463 = arith.constant 29 : i32
    %swap3A_464 = arith.index_cast %swap3A_463 : i32 to index
    %swap3A_465 = arith.constant 16 : index
    %swap3A_466 = tpu.vector_load %arg7[%swap3A_464, %swap3A_465] {strides = array<i32>} : memref<32x32xi32, #tpu.memory_space<vmem>>, vector<16xi32>,
    tpu.vector_store %arg7[%swap3A_464, %swap3A_465], %broadcast_in_dim3A {strides = array<i32>} : memref<32x32xi32, #tpu.memory_space<vmem>>, vector<16xi32>,
    %swap3A_467 = arith.constant 30 : i32
    %swap3A_468 = arith.index_cast %swap3A_467 : i32 to index
    %swap3A_469 = arith.constant 0 : index
    %swap3A_470 = tpu.vector_load %arg7[%swap3A_468, %swap3A_469] {strides = array<i32>} : memref<32x32xi32, #tpu.memory_space<vmem>>, vector<16xi32>,
    tpu.vector_store %arg7[%swap3A_468, %swap3A_469], %broadcast_in_dim3A {strides = array<i32>} : memref<32x32xi32, #tpu.memory_space<vmem>>, vector<16xi32>,
    %swap3A_471 = arith.constant 30 : i32
    %swap3A_472 = arith.index_cast %swap3A_471 : i32 to index
    %swap3A_473 = arith.constant 16 : index
    %swap3A_474 = tpu.vector_load %arg7[%swap3A_472, %swap3A_473] {strides = array<i32>} : memref<32x32xi32, #tpu.memory_space<vmem>>, vector<16xi32>,
    tpu.vector_store %arg7[%swap3A_472, %swap3A_473], %broadcast_in_dim3A {strides = array<i32>} : memref<32x32xi32, #tpu.memory_space<vmem>>, vector<16xi32>,
    %swap3A_475 = arith.constant 31 : i32
    %swap3A_476 = arith.index_cast %swap3A_475 : i32 to index
    %swap3A_477 = arith.constant 0 : index
    %swap3A_478 = tpu.vector_load %arg7[%swap3A_476, %swap3A_477] {strides = array<i32>} : memref<32x32xi32, #tpu.memory_space<vmem>>, vector<16xi32>,
    tpu.vector_store %arg7[%swap3A_476, %swap3A_477], %broadcast_in_dim3A {strides = array<i32>} : memref<32x32xi32, #tpu.memory_space<vmem>>, vector<16xi32>,
    %swap3A_479 = arith.constant 31 : i32
    %swap3A_480 = arith.index_cast %swap3A_479 : i32 to index
    %swap3A_481 = arith.constant 16 : index
    %swap3A_482 = tpu.vector_load %arg7[%swap3A_480, %swap3A_481] {strides = array<i32>} : memref<32x32xi32, #tpu.memory_space<vmem>>, vector<16xi32>,
    tpu.vector_store %arg7[%swap3A_480, %swap3A_481], %broadcast_in_dim3A {strides = array<i32>} : memref<32x32xi32, #tpu.memory_space<vmem>>, vector<16xi32>,
    %iota3A = tpu.iota {dimensions = array<i32: 0>} : vector<16xi32>
    %scan3A = arith.constant 0 : i32
    %scan3A_483 = arith.constant 0 : i32
    %scan3A_484 = arith.constant 64 : i32
    %scan3A_485 = arith.addi %scan3A_483, %scan3A_484 : i32
    %scan3A_486 = arith.constant 1 : i32
    %scan3A_487 = scf.for %scan3A_746 = %scan3A_483 to %scan3A_485 step %scan3A_486 iter_args(%scan3A_747 = %scan3A) -> (i32)  : i32 {
      %mul3A_748 = arith.constant 16 : i32
      %mul3A_749 = arith.muli %scan3A_746, %mul3A_748 : i32
      %get3A = arith.index_cast %mul3A_749 : i32 to index
      %get3A_750 = tpu.vector_load %arg6[%get3A] {strides = array<i32>} : memref<1024xi32, #tpu.memory_space<vmem>>, vector<16xi32>,
      %ne3A = arith.constant 0 : i32
      %ne3A_751 = vector.broadcast %ne3A : i32 to vector<16xi32>
      %ne3A_752 = arith.cmpi ne, %get3A_750, %ne3A_751 : vector<16xi32>
      %convert_element_type3A = arith.extui %ne3A_752 : vector<16xi1> to vector<16xi32>
      %mul3A_753 = arith.constant 16 : i32
      %mul3A_754 = arith.muli %scan3A_746, %mul3A_753 : i32
      %add3A_755 = arith.addi %mul3A_2, %mul3A_754 : i32
      %add3A_756 = vector.broadcast %add3A_755 : i32 to vector<16xi32>
      %add3A_757 = arith.addi %add3A_756, %iota3A : vector<16xi32>
      %cumsum3A = arith.constant true
      %cumsum3A_758 = vector.broadcast %cumsum3A : i1 to vector<16xi1>
      %cumsum3A_759 = tpu.scan <sum>, %convert_element_type3A masked %cumsum3A_758 : vector<16xi32>, vector<16xi1> -> vector<16xi32>
      %add3A_760 = vector.broadcast %scan3A_747 : i32 to vector<16xi32>
      %add3A_761 = arith.addi %add3A_760, %cumsum3A_759 : vector<16xi32>
      %sub3A_762 = arith.constant 1 : i32
      %sub3A_763 = vector.broadcast %sub3A_762 : i32 to vector<16xi32>
      %sub3A_764 = arith.subi %add3A_761, %sub3A_763 : vector<16xi32>
      %shift_right_arithmetic3A_765 = arith.constant 5 : i32
      %shift_right_arithmetic3A_766 = vector.broadcast %shift_right_arithmetic3A_765 : i32 to vector<16xi32>
      %shift_right_arithmetic3A_767 = arith.shrsi %sub3A_764, %shift_right_arithmetic3A_766 : vector<16xi32>
      %and3A = arith.constant 31 : i32
      %and3A_768 = vector.broadcast %and3A : i32 to vector<16xi32>
      %and3A_769 = arith.andi %sub3A_764, %and3A_768 : vector<16xi32>
      tpu.vector_store_idx %arg7[%shift_right_arithmetic3A_767, %and3A_769], %add3A_757 masked %ne3A_752 : memref<32x32xi32, #tpu.memory_space<vmem>>[vector<16xi32>, vector<16xi32>], vector<16xi32>, vector<16xi1>
      %slice3A = vector.extract_strided_slice %cumsum3A_759 {offsets = [15], sizes = [1], strides = [1]} : vector<16xi32> to vector<1xi32>
      %squeeze3A = vector.extract %slice3A[0] : i32 from vector<1xi32>
      %add3A_770 = arith.addi %scan3A_747, %squeeze3A : i32
      scf.yield %add3A_770 : i32
    }
    %scan3A_488 = arith.constant 64 : i32
    %add3A_489 = arith.constant 32 : i32
    %add3A_490 = arith.addi %scan3A_487, %add3A_489 : i32
    %sub3A = arith.constant 1 : i32
    %sub3A_491 = arith.subi %add3A_490, %sub3A : i32
    %shift_right_arithmetic3A = arith.constant 5 : i32
    %shift_right_arithmetic3A_492 = arith.shrsi %sub3A_491, %shift_right_arithmetic3A : i32
    %scan3A_493 = arith.constant 0 : i32
    %scan3A_494 = arith.constant 0 : i32
    %scan3A_495 = arith.constant 8 : i32
    %scan3A_496 = arith.addi %scan3A_494, %scan3A_495 : i32
    %scan3A_497 = arith.constant 1 : i32
    %scan3A_498 = scf.for %scan3A_746 = %scan3A_494 to %scan3A_496 step %scan3A_497 iter_args(%scan3A_747 = %scan3A_493) -> (i32)  : i32 {
      %mul3A_748 = arith.constant 2 : i32
      %mul3A_749 = arith.muli %scan3A_746, %mul3A_748 : i32
      %add3A_750 = arith.constant 0 : i32
      %add3A_751 = arith.addi %mul3A_749, %add3A_750 : i32
      %mul3A_752 = arith.constant 64 : i32
      %mul3A_753 = arith.muli %add3A_751, %mul3A_752 : i32
      %add3A_754 = arith.addi %mul3A_2, %mul3A_753 : i32
      %dma_start3A_755 = arith.constant 0 : i32
      %dma_start3A_756 = arith.constant 0 : i32
      %dma_start3A_757 = arith.constant 0 : i32
      %dma_start3A_758 = tpu.memref_slice %arg8[%dma_start3A_755, %dma_start3A_756, %dma_start3A_757] : memref<2x64x768xf32, #tpu.memory_space<vmem>> -> memref<1x64x768xf32, #tpu.memory_space<vmem>>
      %dma_start3A_759 = tpu.memref_squeeze %dma_start3A_758 : memref<1x64x768xf32, #tpu.memory_space<vmem>> -> memref<64x768xf32, #tpu.memory_space<vmem>>
      %dma_start3A_760 = arith.constant 0 : i32
      %dma_start3A_761 = tpu.memref_slice %arg2[%add3A_754, %dma_start3A_760] : memref<32768x768xf32, #tpu.memory_space<hbm>> -> memref<64x768xf32, #tpu.memory_space<hbm>>
      %dma_start3A_762 = arith.constant 0 : i32
      %dma_start3A_763 = arith.constant 0 : i32
      %dma_start3A_764 = tpu.memref_slice %arg8[%dma_start3A_755, %dma_start3A_762, %dma_start3A_763] : memref<2x64x768xf32, #tpu.memory_space<vmem>> -> memref<1x64x768xf32, #tpu.memory_space<vmem>>
      %dma_start3A_765 = tpu.memref_squeeze %dma_start3A_764 : memref<1x64x768xf32, #tpu.memory_space<vmem>> -> memref<64x768xf32, #tpu.memory_space<vmem>>
      %dma_start3A_766 = arith.constant 0 : i32
      %dma_start3A_767 = tpu.memref_slice %arg2[%add3A_754, %dma_start3A_766] : memref<32768x768xf32, #tpu.memory_space<hbm>> -> memref<64x768xf32, #tpu.memory_space<hbm>>
      tpu.enqueue_dma source(%dma_start3A_767 : memref<64x768xf32, #tpu.memory_space<hbm>>) target(%dma_start3A_765 : memref<64x768xf32, #tpu.memory_space<vmem>>) target_semaphore(%arg12 : memref<!tpu.dma_semaphore, #tpu.memory_space<semaphore_mem>>)
      %add3A_768 = arith.constant 1 : i32
      %add3A_769 = arith.addi %mul3A_749, %add3A_768 : i32
      %mul3A_770 = arith.constant 64 : i32
      %mul3A_771 = arith.muli %add3A_769, %mul3A_770 : i32
      %add3A_772 = arith.addi %mul3A_2, %mul3A_771 : i32
      %dma_start3A_773 = arith.constant 1 : i32
      %dma_start3A_774 = arith.constant 0 : i32
      %dma_start3A_775 = arith.constant 0 : i32
      %dma_start3A_776 = tpu.memref_slice %arg8[%dma_start3A_773, %dma_start3A_774, %dma_start3A_775] : memref<2x64x768xf32, #tpu.memory_space<vmem>> -> memref<1x64x768xf32, #tpu.memory_space<vmem>>
      %dma_start3A_777 = tpu.memref_squeeze %dma_start3A_776 : memref<1x64x768xf32, #tpu.memory_space<vmem>> -> memref<64x768xf32, #tpu.memory_space<vmem>>
      %dma_start3A_778 = arith.constant 0 : i32
      %dma_start3A_779 = tpu.memref_slice %arg2[%add3A_772, %dma_start3A_778] : memref<32768x768xf32, #tpu.memory_space<hbm>> -> memref<64x768xf32, #tpu.memory_space<hbm>>
      %dma_start3A_780 = arith.constant 0 : i32
      %dma_start3A_781 = arith.constant 0 : i32
      %dma_start3A_782 = tpu.memref_slice %arg8[%dma_start3A_773, %dma_start3A_780, %dma_start3A_781] : memref<2x64x768xf32, #tpu.memory_space<vmem>> -> memref<1x64x768xf32, #tpu.memory_space<vmem>>
      %dma_start3A_783 = tpu.memref_squeeze %dma_start3A_782 : memref<1x64x768xf32, #tpu.memory_space<vmem>> -> memref<64x768xf32, #tpu.memory_space<vmem>>
      %dma_start3A_784 = arith.constant 0 : i32
      %dma_start3A_785 = tpu.memref_slice %arg2[%add3A_772, %dma_start3A_784] : memref<32768x768xf32, #tpu.memory_space<hbm>> -> memref<64x768xf32, #tpu.memory_space<hbm>>
      tpu.enqueue_dma source(%dma_start3A_785 : memref<64x768xf32, #tpu.memory_space<hbm>>) target(%dma_start3A_783 : memref<64x768xf32, #tpu.memory_space<vmem>>) target_semaphore(%arg13 : memref<!tpu.dma_semaphore, #tpu.memory_space<semaphore_mem>>)
      %dma_wait3A_786 = arith.constant 0 : i32
      %dma_wait3A_787 = arith.constant 0 : i32
      %dma_wait3A_788 = arith.constant 0 : i32
      %dma_wait3A_789 = tpu.memref_slice %arg8[%dma_wait3A_786, %dma_wait3A_787, %dma_wait3A_788] : memref<2x64x768xf32, #tpu.memory_space<vmem>> -> memref<1x64x768xf32, #tpu.memory_space<vmem>>
      %dma_wait3A_790 = tpu.memref_squeeze %dma_wait3A_789 : memref<1x64x768xf32, #tpu.memory_space<vmem>> -> memref<64x768xf32, #tpu.memory_space<vmem>>
      %dma_wait3A_791 = arith.constant 0 : i32
      %dma_wait3A_792 = tpu.memref_slice %arg2[%add3A_754, %dma_wait3A_791] : memref<32768x768xf32, #tpu.memory_space<hbm>> -> memref<64x768xf32, #tpu.memory_space<hbm>>
      %dma_wait3A_793 = arith.constant 0 : i32
      %dma_wait3A_794 = arith.constant 0 : i32
      %dma_wait3A_795 = tpu.memref_slice %arg8[%dma_wait3A_786, %dma_wait3A_793, %dma_wait3A_794] : memref<2x64x768xf32, #tpu.memory_space<vmem>> -> memref<1x64x768xf32, #tpu.memory_space<vmem>>
      %dma_wait3A_796 = tpu.memref_squeeze %dma_wait3A_795 : memref<1x64x768xf32, #tpu.memory_space<vmem>> -> memref<64x768xf32, #tpu.memory_space<vmem>>
      %dma_wait3A_797 = arith.constant 0 : i32
      %dma_wait3A_798 = tpu.memref_slice %arg2[%add3A_754, %dma_wait3A_797] : memref<32768x768xf32, #tpu.memory_space<hbm>> -> memref<64x768xf32, #tpu.memory_space<hbm>>
      tpu.wait_dma2 semaphore(%arg12 : memref<!tpu.dma_semaphore, #tpu.memory_space<semaphore_mem>>) src(%dma_wait3A_798 : memref<64x768xf32, #tpu.memory_space<hbm>>) dst(%dma_wait3A_796 : memref<64x768xf32, #tpu.memory_space<vmem>>)
      %add3A_799 = arith.constant 0 : i32
      %add3A_800 = arith.addi %mul3A_749, %add3A_799 : i32
      %mul3A_801 = arith.constant 64 : i32
      %mul3A_802 = arith.muli %add3A_800, %mul3A_801 : i32
      %add3A_803 = arith.addi %mul3A_2, %mul3A_802 : i32
      %dma_start3A_804 = arith.constant 0 : i32
      %dma_start3A_805 = arith.constant 0 : i32
      %dma_start3A_806 = arith.constant 0 : i32
      %dma_start3A_807 = tpu.memref_slice %arg8[%dma_start3A_804, %dma_start3A_805, %dma_start3A_806] : memref<2x64x768xf32, #tpu.memory_space<vmem>> -> memref<1x64x768xf32, #tpu.memory_space<vmem>>
      %dma_start3A_808 = tpu.memref_squeeze %dma_start3A_807 : memref<1x64x768xf32, #tpu.memory_space<vmem>> -> memref<64x768xf32, #tpu.memory_space<vmem>>
      %dma_start3A_809 = arith.constant 0 : i32
      %dma_start3A_810 = tpu.memref_slice %arg5[%add3A_803, %dma_start3A_809] : memref<32800x768xf32, #tpu.memory_space<hbm>> -> memref<64x768xf32, #tpu.memory_space<hbm>>
      %dma_start3A_811 = arith.constant 0 : i32
      %dma_start3A_812 = tpu.memref_slice %arg5[%add3A_803, %dma_start3A_811] : memref<32800x768xf32, #tpu.memory_space<hbm>> -> memref<64x768xf32, #tpu.memory_space<hbm>>
      %dma_start3A_813 = arith.constant 0 : i32
      %dma_start3A_814 = arith.constant 0 : i32
      %dma_start3A_815 = tpu.memref_slice %arg8[%dma_start3A_804, %dma_start3A_813, %dma_start3A_814] : memref<2x64x768xf32, #tpu.memory_space<vmem>> -> memref<1x64x768xf32, #tpu.memory_space<vmem>>
      %dma_start3A_816 = tpu.memref_squeeze %dma_start3A_815 : memref<1x64x768xf32, #tpu.memory_space<vmem>> -> memref<64x768xf32, #tpu.memory_space<vmem>>
      tpu.enqueue_dma source(%dma_start3A_816 : memref<64x768xf32, #tpu.memory_space<vmem>>) target(%dma_start3A_812 : memref<64x768xf32, #tpu.memory_space<hbm>>) target_semaphore(%arg14 : memref<!tpu.dma_semaphore, #tpu.memory_space<semaphore_mem>>)
      %dma_wait3A_817 = arith.constant 1 : i32
      %dma_wait3A_818 = arith.constant 0 : i32
      %dma_wait3A_819 = arith.constant 0 : i32
      %dma_wait3A_820 = tpu.memref_slice %arg8[%dma_wait3A_817, %dma_wait3A_818, %dma_wait3A_819] : memref<2x64x768xf32, #tpu.memory_space<vmem>> -> memref<1x64x768xf32, #tpu.memory_space<vmem>>
      %dma_wait3A_821 = tpu.memref_squeeze %dma_wait3A_820 : memref<1x64x768xf32, #tpu.memory_space<vmem>> -> memref<64x768xf32, #tpu.memory_space<vmem>>
      %dma_wait3A_822 = arith.constant 0 : i32
      %dma_wait3A_823 = tpu.memref_slice %arg2[%add3A_772, %dma_wait3A_822] : memref<32768x768xf32, #tpu.memory_space<hbm>> -> memref<64x768xf32, #tpu.memory_space<hbm>>
      %dma_wait3A_824 = arith.constant 0 : i32
      %dma_wait3A_825 = arith.constant 0 : i32
      %dma_wait3A_826 = tpu.memref_slice %arg8[%dma_wait3A_817, %dma_wait3A_824, %dma_wait3A_825] : memref<2x64x768xf32, #tpu.memory_space<vmem>> -> memref<1x64x768xf32, #tpu.memory_space<vmem>>
      %dma_wait3A_827 = tpu.memref_squeeze %dma_wait3A_826 : memref<1x64x768xf32, #tpu.memory_space<vmem>> -> memref<64x768xf32, #tpu.memory_space<vmem>>
      %dma_wait3A_828 = arith.constant 0 : i32
      %dma_wait3A_829 = tpu.memref_slice %arg2[%add3A_772, %dma_wait3A_828] : memref<32768x768xf32, #tpu.memory_space<hbm>> -> memref<64x768xf32, #tpu.memory_space<hbm>>
      tpu.wait_dma2 semaphore(%arg13 : memref<!tpu.dma_semaphore, #tpu.memory_space<semaphore_mem>>) src(%dma_wait3A_829 : memref<64x768xf32, #tpu.memory_space<hbm>>) dst(%dma_wait3A_827 : memref<64x768xf32, #tpu.memory_space<vmem>>)
      %add3A_830 = arith.constant 1 : i32
      %add3A_831 = arith.addi %mul3A_749, %add3A_830 : i32
      %mul3A_832 = arith.constant 64 : i32
      %mul3A_833 = arith.muli %add3A_831, %mul3A_832 : i32
      %add3A_834 = arith.addi %mul3A_2, %mul3A_833 : i32
      %dma_start3A_835 = arith.constant 1 : i32
      %dma_start3A_836 = arith.constant 0 : i32
      %dma_start3A_837 = arith.constant 0 : i32
      %dma_start3A_838 = tpu.memref_slice %arg8[%dma_start3A_835, %dma_start3A_836, %dma_start3A_837] : memref<2x64x768xf32, #tpu.memory_space<vmem>> -> memref<1x64x768xf32, #tpu.memory_space<vmem>>
      %dma_start3A_839 = tpu.memref_squeeze %dma_start3A_838 : memref<1x64x768xf32, #tpu.memory_space<vmem>> -> memref<64x768xf32, #tpu.memory_space<vmem>>
      %dma_start3A_840 = arith.constant 0 : i32
      %dma_start3A_841 = tpu.memref_slice %arg5[%add3A_834, %dma_start3A_840] : memref<32800x768xf32, #tpu.memory_space<hbm>> -> memref<64x768xf32, #tpu.memory_space<hbm>>
      %dma_start3A_842 = arith.constant 0 : i32
      %dma_start3A_843 = tpu.memref_slice %arg5[%add3A_834, %dma_start3A_842] : memref<32800x768xf32, #tpu.memory_space<hbm>> -> memref<64x768xf32, #tpu.memory_space<hbm>>
      %dma_start3A_844 = arith.constant 0 : i32
      %dma_start3A_845 = arith.constant 0 : i32
      %dma_start3A_846 = tpu.memref_slice %arg8[%dma_start3A_835, %dma_start3A_844, %dma_start3A_845] : memref<2x64x768xf32, #tpu.memory_space<vmem>> -> memref<1x64x768xf32, #tpu.memory_space<vmem>>
      %dma_start3A_847 = tpu.memref_squeeze %dma_start3A_846 : memref<1x64x768xf32, #tpu.memory_space<vmem>> -> memref<64x768xf32, #tpu.memory_space<vmem>>
      tpu.enqueue_dma source(%dma_start3A_847 : memref<64x768xf32, #tpu.memory_space<vmem>>) target(%dma_start3A_843 : memref<64x768xf32, #tpu.memory_space<hbm>>) target_semaphore(%arg15 : memref<!tpu.dma_semaphore, #tpu.memory_space<semaphore_mem>>)
      %dma_wait3A_848 = arith.constant 0 : i32
      %dma_wait3A_849 = arith.constant 0 : i32
      %dma_wait3A_850 = arith.constant 0 : i32
      %dma_wait3A_851 = tpu.memref_slice %arg8[%dma_wait3A_848, %dma_wait3A_849, %dma_wait3A_850] : memref<2x64x768xf32, #tpu.memory_space<vmem>> -> memref<1x64x768xf32, #tpu.memory_space<vmem>>
      %dma_wait3A_852 = tpu.memref_squeeze %dma_wait3A_851 : memref<1x64x768xf32, #tpu.memory_space<vmem>> -> memref<64x768xf32, #tpu.memory_space<vmem>>
      %dma_wait3A_853 = arith.constant 0 : i32
      %dma_wait3A_854 = tpu.memref_slice %arg5[%add3A_803, %dma_wait3A_853] : memref<32800x768xf32, #tpu.memory_space<hbm>> -> memref<64x768xf32, #tpu.memory_space<hbm>>
      %dma_wait3A_855 = arith.constant 0 : i32
      %dma_wait3A_856 = tpu.memref_slice %arg5[%add3A_803, %dma_wait3A_855] : memref<32800x768xf32, #tpu.memory_space<hbm>> -> memref<64x768xf32, #tpu.memory_space<hbm>>
      %dma_wait3A_857 = arith.constant 0 : i32
      %dma_wait3A_858 = arith.constant 0 : i32
      %dma_wait3A_859 = tpu.memref_slice %arg8[%dma_wait3A_848, %dma_wait3A_857, %dma_wait3A_858] : memref<2x64x768xf32, #tpu.memory_space<vmem>> -> memref<1x64x768xf32, #tpu.memory_space<vmem>>
      %dma_wait3A_860 = tpu.memref_squeeze %dma_wait3A_859 : memref<1x64x768xf32, #tpu.memory_space<vmem>> -> memref<64x768xf32, #tpu.memory_space<vmem>>
      tpu.wait_dma2 semaphore(%arg14 : memref<!tpu.dma_semaphore, #tpu.memory_space<semaphore_mem>>) src(%dma_wait3A_860 : memref<64x768xf32, #tpu.memory_space<vmem>>) dst(%dma_wait3A_856 : memref<64x768xf32, #tpu.memory_space<hbm>>)
      %dma_wait3A_861 = arith.constant 1 : i32
      %dma_wait3A_862 = arith.constant 0 : i32
      %dma_wait3A_863 = arith.constant 0 : i32
      %dma_wait3A_864 = tpu.memref_slice %arg8[%dma_wait3A_861, %dma_wait3A_862, %dma_wait3A_863] : memref<2x64x768xf32, #tpu.memory_space<vmem>> -> memref<1x64x768xf32, #tpu.memory_space<vmem>>
      %dma_wait3A_865 = tpu.memref_squeeze %dma_wait3A_864 : memref<1x64x768xf32, #tpu.memory_space<vmem>> -> memref<64x768xf32, #tpu.memory_space<vmem>>
      %dma_wait3A_866 = arith.constant 0 : i32
      %dma_wait3A_867 = tpu.memref_slice %arg5[%add3A_834, %dma_wait3A_866] : memref<32800x768xf32, #tpu.memory_space<hbm>> -> memref<64x768xf32, #tpu.memory_space<hbm>>
      %dma_wait3A_868 = arith.constant 0 : i32
      %dma_wait3A_869 = tpu.memref_slice %arg5[%add3A_834, %dma_wait3A_868] : memref<32800x768xf32, #tpu.memory_space<hbm>> -> memref<64x768xf32, #tpu.memory_space<hbm>>
      %dma_wait3A_870 = arith.constant 0 : i32
      %dma_wait3A_871 = arith.constant 0 : i32
      %dma_wait3A_872 = tpu.memref_slice %arg8[%dma_wait3A_861, %dma_wait3A_870, %dma_wait3A_871] : memref<2x64x768xf32, #tpu.memory_space<vmem>> -> memref<1x64x768xf32, #tpu.memory_space<vmem>>
      %dma_wait3A_873 = tpu.memref_squeeze %dma_wait3A_872 : memref<1x64x768xf32, #tpu.memory_space<vmem>> -> memref<64x768xf32, #tpu.memory_space<vmem>>
      tpu.wait_dma2 semaphore(%arg15 : memref<!tpu.dma_semaphore, #tpu.memory_space<semaphore_mem>>) src(%dma_wait3A_873 : memref<64x768xf32, #tpu.memory_space<vmem>>) dst(%dma_wait3A_869 : memref<64x768xf32, #tpu.memory_space<hbm>>)
      %scan3A_874 = arith.constant 0 : i32
      scf.yield %scan3A_874 : i32
    }
    %scan3A_499 = arith.constant 8 : i32
    %dma_wait3A = arith.constant 0 : i32
    %dma_wait3A_500 = arith.constant 0 : i32
    %dma_wait3A_501 = tpu.memref_slice %arg9[%dma_wait3A, %dma_wait3A_500] : memref<32x768xf32, #tpu.memory_space<vmem>> -> memref<1x768xf32, #tpu.memory_space<vmem>>
    %dma_wait3A_502 = tpu.memref_squeeze %dma_wait3A_501 : memref<1x768xf32, #tpu.memory_space<vmem>> -> memref<768xf32, #tpu.memory_space<vmem>>
    %dma_wait3A_503 = arith.constant 0 : i32
    %dma_wait3A_504 = tpu.memref_slice %arg9[%dma_wait3A, %dma_wait3A_503] : memref<32x768xf32, #tpu.memory_space<vmem>> -> memref<1x768xf32, #tpu.memory_space<vmem>>
    %dma_wait3A_505 = tpu.memref_squeeze %dma_wait3A_504 : memref<1x768xf32, #tpu.memory_space<vmem>> -> memref<768xf32, #tpu.memory_space<vmem>>
    tpu.wait_dma2 semaphore(%arg10 : memref<!tpu.dma_semaphore, #tpu.memory_space<semaphore_mem>>) src(%arg4 : memref<768xf32, #tpu.memory_space<hbm>>) dst(%dma_wait3A_505 : memref<768xf32, #tpu.memory_space<vmem>>)
    %dma_wait3A_506 = arith.constant 1 : i32
    %dma_wait3A_507 = arith.constant 0 : i32
    %dma_wait3A_508 = tpu.memref_slice %arg9[%dma_wait3A_506, %dma_wait3A_507] : memref<32x768xf32, #tpu.memory_space<vmem>> -> memref<1x768xf32, #tpu.memory_space<vmem>>
    %dma_wait3A_509 = tpu.memref_squeeze %dma_wait3A_508 : memref<1x768xf32, #tpu.memory_space<vmem>> -> memref<768xf32, #tpu.memory_space<vmem>>
    %dma_wait3A_510 = arith.constant 0 : i32
    %dma_wait3A_511 = tpu.memref_slice %arg9[%dma_wait3A_506, %dma_wait3A_510] : memref<32x768xf32, #tpu.memory_space<vmem>> -> memref<1x768xf32, #tpu.memory_space<vmem>>
    %dma_wait3A_512 = tpu.memref_squeeze %dma_wait3A_511 : memref<1x768xf32, #tpu.memory_space<vmem>> -> memref<768xf32, #tpu.memory_space<vmem>>
    tpu.wait_dma2 semaphore(%arg10 : memref<!tpu.dma_semaphore, #tpu.memory_space<semaphore_mem>>) src(%arg4 : memref<768xf32, #tpu.memory_space<hbm>>) dst(%dma_wait3A_512 : memref<768xf32, #tpu.memory_space<vmem>>)
    %dma_wait3A_513 = arith.constant 2 : i32
    %dma_wait3A_514 = arith.constant 0 : i32
    %dma_wait3A_515 = tpu.memref_slice %arg9[%dma_wait3A_513, %dma_wait3A_514] : memref<32x768xf32, #tpu.memory_space<vmem>> -> memref<1x768xf32, #tpu.memory_space<vmem>>
    %dma_wait3A_516 = tpu.memref_squeeze %dma_wait3A_515 : memref<1x768xf32, #tpu.memory_space<vmem>> -> memref<768xf32, #tpu.memory_space<vmem>>
    %dma_wait3A_517 = arith.constant 0 : i32
    %dma_wait3A_518 = tpu.memref_slice %arg9[%dma_wait3A_513, %dma_wait3A_517] : memref<32x768xf32, #tpu.memory_space<vmem>> -> memref<1x768xf32, #tpu.memory_space<vmem>>
    %dma_wait3A_519 = tpu.memref_squeeze %dma_wait3A_518 : memref<1x768xf32, #tpu.memory_space<vmem>> -> memref<768xf32, #tpu.memory_space<vmem>>
    tpu.wait_dma2 semaphore(%arg10 : memref<!tpu.dma_semaphore, #tpu.memory_space<semaphore_mem>>) src(%arg4 : memref<768xf32, #tpu.memory_space<hbm>>) dst(%dma_wait3A_519 : memref<768xf32, #tpu.memory_space<vmem>>)
    %dma_wait3A_520 = arith.constant 3 : i32
    %dma_wait3A_521 = arith.constant 0 : i32
    %dma_wait3A_522 = tpu.memref_slice %arg9[%dma_wait3A_520, %dma_wait3A_521] : memref<32x768xf32, #tpu.memory_space<vmem>> -> memref<1x768xf32, #tpu.memory_space<vmem>>
    %dma_wait3A_523 = tpu.memref_squeeze %dma_wait3A_522 : memref<1x768xf32, #tpu.memory_space<vmem>> -> memref<768xf32, #tpu.memory_space<vmem>>
    %dma_wait3A_524 = arith.constant 0 : i32
    %dma_wait3A_525 = tpu.memref_slice %arg9[%dma_wait3A_520, %dma_wait3A_524] : memref<32x768xf32, #tpu.memory_space<vmem>> -> memref<1x768xf32, #tpu.memory_space<vmem>>
    %dma_wait3A_526 = tpu.memref_squeeze %dma_wait3A_525 : memref<1x768xf32, #tpu.memory_space<vmem>> -> memref<768xf32, #tpu.memory_space<vmem>>
    tpu.wait_dma2 semaphore(%arg10 : memref<!tpu.dma_semaphore, #tpu.memory_space<semaphore_mem>>) src(%arg4 : memref<768xf32, #tpu.memory_space<hbm>>) dst(%dma_wait3A_526 : memref<768xf32, #tpu.memory_space<vmem>>)
    %dma_wait3A_527 = arith.constant 4 : i32
    %dma_wait3A_528 = arith.constant 0 : i32
    %dma_wait3A_529 = tpu.memref_slice %arg9[%dma_wait3A_527, %dma_wait3A_528] : memref<32x768xf32, #tpu.memory_space<vmem>> -> memref<1x768xf32, #tpu.memory_space<vmem>>
    %dma_wait3A_530 = tpu.memref_squeeze %dma_wait3A_529 : memref<1x768xf32, #tpu.memory_space<vmem>> -> memref<768xf32, #tpu.memory_space<vmem>>
    %dma_wait3A_531 = arith.constant 0 : i32
    %dma_wait3A_532 = tpu.memref_slice %arg9[%dma_wait3A_527, %dma_wait3A_531] : memref<32x768xf32, #tpu.memory_space<vmem>> -> memref<1x768xf32, #tpu.memory_space<vmem>>
    %dma_wait3A_533 = tpu.memref_squeeze %dma_wait3A_532 : memref<1x768xf32, #tpu.memory_space<vmem>> -> memref<768xf32, #tpu.memory_space<vmem>>
    tpu.wait_dma2 semaphore(%arg10 : memref<!tpu.dma_semaphore, #tpu.memory_space<semaphore_mem>>) src(%arg4 : memref<768xf32, #tpu.memory_space<hbm>>) dst(%dma_wait3A_533 : memref<768xf32, #tpu.memory_space<vmem>>)
    %dma_wait3A_534 = arith.constant 5 : i32
    %dma_wait3A_535 = arith.constant 0 : i32
    %dma_wait3A_536 = tpu.memref_slice %arg9[%dma_wait3A_534, %dma_wait3A_535] : memref<32x768xf32, #tpu.memory_space<vmem>> -> memref<1x768xf32, #tpu.memory_space<vmem>>
    %dma_wait3A_537 = tpu.memref_squeeze %dma_wait3A_536 : memref<1x768xf32, #tpu.memory_space<vmem>> -> memref<768xf32, #tpu.memory_space<vmem>>
    %dma_wait3A_538 = arith.constant 0 : i32
    %dma_wait3A_539 = tpu.memref_slice %arg9[%dma_wait3A_534, %dma_wait3A_538] : memref<32x768xf32, #tpu.memory_space<vmem>> -> memref<1x768xf32, #tpu.memory_space<vmem>>
    %dma_wait3A_540 = tpu.memref_squeeze %dma_wait3A_539 : memref<1x768xf32, #tpu.memory_space<vmem>> -> memref<768xf32, #tpu.memory_space<vmem>>
    tpu.wait_dma2 semaphore(%arg10 : memref<!tpu.dma_semaphore, #tpu.memory_space<semaphore_mem>>) src(%arg4 : memref<768xf32, #tpu.memory_space<hbm>>) dst(%dma_wait3A_540 : memref<768xf32, #tpu.memory_space<vmem>>)
    %dma_wait3A_541 = arith.constant 6 : i32
    %dma_wait3A_542 = arith.constant 0 : i32
    %dma_wait3A_543 = tpu.memref_slice %arg9[%dma_wait3A_541, %dma_wait3A_542] : memref<32x768xf32, #tpu.memory_space<vmem>> -> memref<1x768xf32, #tpu.memory_space<vmem>>
    %dma_wait3A_544 = tpu.memref_squeeze %dma_wait3A_543 : memref<1x768xf32, #tpu.memory_space<vmem>> -> memref<768xf32, #tpu.memory_space<vmem>>
    %dma_wait3A_545 = arith.constant 0 : i32
    %dma_wait3A_546 = tpu.memref_slice %arg9[%dma_wait3A_541, %dma_wait3A_545] : memref<32x768xf32, #tpu.memory_space<vmem>> -> memref<1x768xf32, #tpu.memory_space<vmem>>
    %dma_wait3A_547 = tpu.memref_squeeze %dma_wait3A_546 : memref<1x768xf32, #tpu.memory_space<vmem>> -> memref<768xf32, #tpu.memory_space<vmem>>
    tpu.wait_dma2 semaphore(%arg10 : memref<!tpu.dma_semaphore, #tpu.memory_space<semaphore_mem>>) src(%arg4 : memref<768xf32, #tpu.memory_space<hbm>>) dst(%dma_wait3A_547 : memref<768xf32, #tpu.memory_space<vmem>>)
    %dma_wait3A_548 = arith.constant 7 : i32
    %dma_wait3A_549 = arith.constant 0 : i32
    %dma_wait3A_550 = tpu.memref_slice %arg9[%dma_wait3A_548, %dma_wait3A_549] : memref<32x768xf32, #tpu.memory_space<vmem>> -> memref<1x768xf32, #tpu.memory_space<vmem>>
    %dma_wait3A_551 = tpu.memref_squeeze %dma_wait3A_550 : memref<1x768xf32, #tpu.memory_space<vmem>> -> memref<768xf32, #tpu.memory_space<vmem>>
    %dma_wait3A_552 = arith.constant 0 : i32
    %dma_wait3A_553 = tpu.memref_slice %arg9[%dma_wait3A_548, %dma_wait3A_552] : memref<32x768xf32, #tpu.memory_space<vmem>> -> memref<1x768xf32, #tpu.memory_space<vmem>>
    %dma_wait3A_554 = tpu.memref_squeeze %dma_wait3A_553 : memref<1x768xf32, #tpu.memory_space<vmem>> -> memref<768xf32, #tpu.memory_space<vmem>>
    tpu.wait_dma2 semaphore(%arg10 : memref<!tpu.dma_semaphore, #tpu.memory_space<semaphore_mem>>) src(%arg4 : memref<768xf32, #tpu.memory_space<hbm>>) dst(%dma_wait3A_554 : memref<768xf32, #tpu.memory_space<vmem>>)
    %dma_wait3A_555 = arith.constant 8 : i32
    %dma_wait3A_556 = arith.constant 0 : i32
    %dma_wait3A_557 = tpu.memref_slice %arg9[%dma_wait3A_555, %dma_wait3A_556] : memref<32x768xf32, #tpu.memory_space<vmem>> -> memref<1x768xf32, #tpu.memory_space<vmem>>
    %dma_wait3A_558 = tpu.memref_squeeze %dma_wait3A_557 : memref<1x768xf32, #tpu.memory_space<vmem>> -> memref<768xf32, #tpu.memory_space<vmem>>
    %dma_wait3A_559 = arith.constant 0 : i32
    %dma_wait3A_560 = tpu.memref_slice %arg9[%dma_wait3A_555, %dma_wait3A_559] : memref<32x768xf32, #tpu.memory_space<vmem>> -> memref<1x768xf32, #tpu.memory_space<vmem>>
    %dma_wait3A_561 = tpu.memref_squeeze %dma_wait3A_560 : memref<1x768xf32, #tpu.memory_space<vmem>> -> memref<768xf32, #tpu.memory_space<vmem>>
    tpu.wait_dma2 semaphore(%arg10 : memref<!tpu.dma_semaphore, #tpu.memory_space<semaphore_mem>>) src(%arg4 : memref<768xf32, #tpu.memory_space<hbm>>) dst(%dma_wait3A_561 : memref<768xf32, #tpu.memory_space<vmem>>)
    %dma_wait3A_562 = arith.constant 9 : i32
    %dma_wait3A_563 = arith.constant 0 : i32
    %dma_wait3A_564 = tpu.memref_slice %arg9[%dma_wait3A_562, %dma_wait3A_563] : memref<32x768xf32, #tpu.memory_space<vmem>> -> memref<1x768xf32, #tpu.memory_space<vmem>>
    %dma_wait3A_565 = tpu.memref_squeeze %dma_wait3A_564 : memref<1x768xf32, #tpu.memory_space<vmem>> -> memref<768xf32, #tpu.memory_space<vmem>>
    %dma_wait3A_566 = arith.constant 0 : i32
    %dma_wait3A_567 = tpu.memref_slice %arg9[%dma_wait3A_562, %dma_wait3A_566] : memref<32x768xf32, #tpu.memory_space<vmem>> -> memref<1x768xf32, #tpu.memory_space<vmem>>
    %dma_wait3A_568 = tpu.memref_squeeze %dma_wait3A_567 : memref<1x768xf32, #tpu.memory_space<vmem>> -> memref<768xf32, #tpu.memory_space<vmem>>
    tpu.wait_dma2 semaphore(%arg10 : memref<!tpu.dma_semaphore, #tpu.memory_space<semaphore_mem>>) src(%arg4 : memref<768xf32, #tpu.memory_space<hbm>>) dst(%dma_wait3A_568 : memref<768xf32, #tpu.memory_space<vmem>>)
    %dma_wait3A_569 = arith.constant 10 : i32
    %dma_wait3A_570 = arith.constant 0 : i32
    %dma_wait3A_571 = tpu.memref_slice %arg9[%dma_wait3A_569, %dma_wait3A_570] : memref<32x768xf32, #tpu.memory_space<vmem>> -> memref<1x768xf32, #tpu.memory_space<vmem>>
    %dma_wait3A_572 = tpu.memref_squeeze %dma_wait3A_571 : memref<1x768xf32, #tpu.memory_space<vmem>> -> memref<768xf32, #tpu.memory_space<vmem>>
    %dma_wait3A_573 = arith.constant 0 : i32
    %dma_wait3A_574 = tpu.memref_slice %arg9[%dma_wait3A_569, %dma_wait3A_573] : memref<32x768xf32, #tpu.memory_space<vmem>> -> memref<1x768xf32, #tpu.memory_space<vmem>>
    %dma_wait3A_575 = tpu.memref_squeeze %dma_wait3A_574 : memref<1x768xf32, #tpu.memory_space<vmem>> -> memref<768xf32, #tpu.memory_space<vmem>>
    tpu.wait_dma2 semaphore(%arg10 : memref<!tpu.dma_semaphore, #tpu.memory_space<semaphore_mem>>) src(%arg4 : memref<768xf32, #tpu.memory_space<hbm>>) dst(%dma_wait3A_575 : memref<768xf32, #tpu.memory_space<vmem>>)
    %dma_wait3A_576 = arith.constant 11 : i32
    %dma_wait3A_577 = arith.constant 0 : i32
    %dma_wait3A_578 = tpu.memref_slice %arg9[%dma_wait3A_576, %dma_wait3A_577] : memref<32x768xf32, #tpu.memory_space<vmem>> -> memref<1x768xf32, #tpu.memory_space<vmem>>
    %dma_wait3A_579 = tpu.memref_squeeze %dma_wait3A_578 : memref<1x768xf32, #tpu.memory_space<vmem>> -> memref<768xf32, #tpu.memory_space<vmem>>
    %dma_wait3A_580 = arith.constant 0 : i32
    %dma_wait3A_581 = tpu.memref_slice %arg9[%dma_wait3A_576, %dma_wait3A_580] : memref<32x768xf32, #tpu.memory_space<vmem>> -> memref<1x768xf32, #tpu.memory_space<vmem>>
    %dma_wait3A_582 = tpu.memref_squeeze %dma_wait3A_581 : memref<1x768xf32, #tpu.memory_space<vmem>> -> memref<768xf32, #tpu.memory_space<vmem>>
    tpu.wait_dma2 semaphore(%arg10 : memref<!tpu.dma_semaphore, #tpu.memory_space<semaphore_mem>>) src(%arg4 : memref<768xf32, #tpu.memory_space<hbm>>) dst(%dma_wait3A_582 : memref<768xf32, #tpu.memory_space<vmem>>)
    %dma_wait3A_583 = arith.constant 12 : i32
    %dma_wait3A_584 = arith.constant 0 : i32
    %dma_wait3A_585 = tpu.memref_slice %arg9[%dma_wait3A_583, %dma_wait3A_584] : memref<32x768xf32, #tpu.memory_space<vmem>> -> memref<1x768xf32, #tpu.memory_space<vmem>>
    %dma_wait3A_586 = tpu.memref_squeeze %dma_wait3A_585 : memref<1x768xf32, #tpu.memory_space<vmem>> -> memref<768xf32, #tpu.memory_space<vmem>>
    %dma_wait3A_587 = arith.constant 0 : i32
    %dma_wait3A_588 = tpu.memref_slice %arg9[%dma_wait3A_583, %dma_wait3A_587] : memref<32x768xf32, #tpu.memory_space<vmem>> -> memref<1x768xf32, #tpu.memory_space<vmem>>
    %dma_wait3A_589 = tpu.memref_squeeze %dma_wait3A_588 : memref<1x768xf32, #tpu.memory_space<vmem>> -> memref<768xf32, #tpu.memory_space<vmem>>
    tpu.wait_dma2 semaphore(%arg10 : memref<!tpu.dma_semaphore, #tpu.memory_space<semaphore_mem>>) src(%arg4 : memref<768xf32, #tpu.memory_space<hbm>>) dst(%dma_wait3A_589 : memref<768xf32, #tpu.memory_space<vmem>>)
    %dma_wait3A_590 = arith.constant 13 : i32
    %dma_wait3A_591 = arith.constant 0 : i32
    %dma_wait3A_592 = tpu.memref_slice %arg9[%dma_wait3A_590, %dma_wait3A_591] : memref<32x768xf32, #tpu.memory_space<vmem>> -> memref<1x768xf32, #tpu.memory_space<vmem>>
    %dma_wait3A_593 = tpu.memref_squeeze %dma_wait3A_592 : memref<1x768xf32, #tpu.memory_space<vmem>> -> memref<768xf32, #tpu.memory_space<vmem>>
    %dma_wait3A_594 = arith.constant 0 : i32
    %dma_wait3A_595 = tpu.memref_slice %arg9[%dma_wait3A_590, %dma_wait3A_594] : memref<32x768xf32, #tpu.memory_space<vmem>> -> memref<1x768xf32, #tpu.memory_space<vmem>>
    %dma_wait3A_596 = tpu.memref_squeeze %dma_wait3A_595 : memref<1x768xf32, #tpu.memory_space<vmem>> -> memref<768xf32, #tpu.memory_space<vmem>>
    tpu.wait_dma2 semaphore(%arg10 : memref<!tpu.dma_semaphore, #tpu.memory_space<semaphore_mem>>) src(%arg4 : memref<768xf32, #tpu.memory_space<hbm>>) dst(%dma_wait3A_596 : memref<768xf32, #tpu.memory_space<vmem>>)
    %dma_wait3A_597 = arith.constant 14 : i32
    %dma_wait3A_598 = arith.constant 0 : i32
    %dma_wait3A_599 = tpu.memref_slice %arg9[%dma_wait3A_597, %dma_wait3A_598] : memref<32x768xf32, #tpu.memory_space<vmem>> -> memref<1x768xf32, #tpu.memory_space<vmem>>
    %dma_wait3A_600 = tpu.memref_squeeze %dma_wait3A_599 : memref<1x768xf32, #tpu.memory_space<vmem>> -> memref<768xf32, #tpu.memory_space<vmem>>
    %dma_wait3A_601 = arith.constant 0 : i32
    %dma_wait3A_602 = tpu.memref_slice %arg9[%dma_wait3A_597, %dma_wait3A_601] : memref<32x768xf32, #tpu.memory_space<vmem>> -> memref<1x768xf32, #tpu.memory_space<vmem>>
    %dma_wait3A_603 = tpu.memref_squeeze %dma_wait3A_602 : memref<1x768xf32, #tpu.memory_space<vmem>> -> memref<768xf32, #tpu.memory_space<vmem>>
    tpu.wait_dma2 semaphore(%arg10 : memref<!tpu.dma_semaphore, #tpu.memory_space<semaphore_mem>>) src(%arg4 : memref<768xf32, #tpu.memory_space<hbm>>) dst(%dma_wait3A_603 : memref<768xf32, #tpu.memory_space<vmem>>)
    %dma_wait3A_604 = arith.constant 15 : i32
    %dma_wait3A_605 = arith.constant 0 : i32
    %dma_wait3A_606 = tpu.memref_slice %arg9[%dma_wait3A_604, %dma_wait3A_605] : memref<32x768xf32, #tpu.memory_space<vmem>> -> memref<1x768xf32, #tpu.memory_space<vmem>>
    %dma_wait3A_607 = tpu.memref_squeeze %dma_wait3A_606 : memref<1x768xf32, #tpu.memory_space<vmem>> -> memref<768xf32, #tpu.memory_space<vmem>>
    %dma_wait3A_608 = arith.constant 0 : i32
    %dma_wait3A_609 = tpu.memref_slice %arg9[%dma_wait3A_604, %dma_wait3A_608] : memref<32x768xf32, #tpu.memory_space<vmem>> -> memref<1x768xf32, #tpu.memory_space<vmem>>
    %dma_wait3A_610 = tpu.memref_squeeze %dma_wait3A_609 : memref<1x768xf32, #tpu.memory_space<vmem>> -> memref<768xf32, #tpu.memory_space<vmem>>
    tpu.wait_dma2 semaphore(%arg10 : memref<!tpu.dma_semaphore, #tpu.memory_space<semaphore_mem>>) src(%arg4 : memref<768xf32, #tpu.memory_space<hbm>>) dst(%dma_wait3A_610 : memref<768xf32, #tpu.memory_space<vmem>>)
    %dma_wait3A_611 = arith.constant 16 : i32
    %dma_wait3A_612 = arith.constant 0 : i32
    %dma_wait3A_613 = tpu.memref_slice %arg9[%dma_wait3A_611, %dma_wait3A_612] : memref<32x768xf32, #tpu.memory_space<vmem>> -> memref<1x768xf32, #tpu.memory_space<vmem>>
    %dma_wait3A_614 = tpu.memref_squeeze %dma_wait3A_613 : memref<1x768xf32, #tpu.memory_space<vmem>> -> memref<768xf32, #tpu.memory_space<vmem>>
    %dma_wait3A_615 = arith.constant 0 : i32
    %dma_wait3A_616 = tpu.memref_slice %arg9[%dma_wait3A_611, %dma_wait3A_615] : memref<32x768xf32, #tpu.memory_space<vmem>> -> memref<1x768xf32, #tpu.memory_space<vmem>>
    %dma_wait3A_617 = tpu.memref_squeeze %dma_wait3A_616 : memref<1x768xf32, #tpu.memory_space<vmem>> -> memref<768xf32, #tpu.memory_space<vmem>>
    tpu.wait_dma2 semaphore(%arg10 : memref<!tpu.dma_semaphore, #tpu.memory_space<semaphore_mem>>) src(%arg4 : memref<768xf32, #tpu.memory_space<hbm>>) dst(%dma_wait3A_617 : memref<768xf32, #tpu.memory_space<vmem>>)
    %dma_wait3A_618 = arith.constant 17 : i32
    %dma_wait3A_619 = arith.constant 0 : i32
    %dma_wait3A_620 = tpu.memref_slice %arg9[%dma_wait3A_618, %dma_wait3A_619] : memref<32x768xf32, #tpu.memory_space<vmem>> -> memref<1x768xf32, #tpu.memory_space<vmem>>
    %dma_wait3A_621 = tpu.memref_squeeze %dma_wait3A_620 : memref<1x768xf32, #tpu.memory_space<vmem>> -> memref<768xf32, #tpu.memory_space<vmem>>
    %dma_wait3A_622 = arith.constant 0 : i32
    %dma_wait3A_623 = tpu.memref_slice %arg9[%dma_wait3A_618, %dma_wait3A_622] : memref<32x768xf32, #tpu.memory_space<vmem>> -> memref<1x768xf32, #tpu.memory_space<vmem>>
    %dma_wait3A_624 = tpu.memref_squeeze %dma_wait3A_623 : memref<1x768xf32, #tpu.memory_space<vmem>> -> memref<768xf32, #tpu.memory_space<vmem>>
    tpu.wait_dma2 semaphore(%arg10 : memref<!tpu.dma_semaphore, #tpu.memory_space<semaphore_mem>>) src(%arg4 : memref<768xf32, #tpu.memory_space<hbm>>) dst(%dma_wait3A_624 : memref<768xf32, #tpu.memory_space<vmem>>)
    %dma_wait3A_625 = arith.constant 18 : i32
    %dma_wait3A_626 = arith.constant 0 : i32
    %dma_wait3A_627 = tpu.memref_slice %arg9[%dma_wait3A_625, %dma_wait3A_626] : memref<32x768xf32, #tpu.memory_space<vmem>> -> memref<1x768xf32, #tpu.memory_space<vmem>>
    %dma_wait3A_628 = tpu.memref_squeeze %dma_wait3A_627 : memref<1x768xf32, #tpu.memory_space<vmem>> -> memref<768xf32, #tpu.memory_space<vmem>>
    %dma_wait3A_629 = arith.constant 0 : i32
    %dma_wait3A_630 = tpu.memref_slice %arg9[%dma_wait3A_625, %dma_wait3A_629] : memref<32x768xf32, #tpu.memory_space<vmem>> -> memref<1x768xf32, #tpu.memory_space<vmem>>
    %dma_wait3A_631 = tpu.memref_squeeze %dma_wait3A_630 : memref<1x768xf32, #tpu.memory_space<vmem>> -> memref<768xf32, #tpu.memory_space<vmem>>
    tpu.wait_dma2 semaphore(%arg10 : memref<!tpu.dma_semaphore, #tpu.memory_space<semaphore_mem>>) src(%arg4 : memref<768xf32, #tpu.memory_space<hbm>>) dst(%dma_wait3A_631 : memref<768xf32, #tpu.memory_space<vmem>>)
    %dma_wait3A_632 = arith.constant 19 : i32
    %dma_wait3A_633 = arith.constant 0 : i32
    %dma_wait3A_634 = tpu.memref_slice %arg9[%dma_wait3A_632, %dma_wait3A_633] : memref<32x768xf32, #tpu.memory_space<vmem>> -> memref<1x768xf32, #tpu.memory_space<vmem>>
    %dma_wait3A_635 = tpu.memref_squeeze %dma_wait3A_634 : memref<1x768xf32, #tpu.memory_space<vmem>> -> memref<768xf32, #tpu.memory_space<vmem>>
    %dma_wait3A_636 = arith.constant 0 : i32
    %dma_wait3A_637 = tpu.memref_slice %arg9[%dma_wait3A_632, %dma_wait3A_636] : memref<32x768xf32, #tpu.memory_space<vmem>> -> memref<1x768xf32, #tpu.memory_space<vmem>>
    %dma_wait3A_638 = tpu.memref_squeeze %dma_wait3A_637 : memref<1x768xf32, #tpu.memory_space<vmem>> -> memref<768xf32, #tpu.memory_space<vmem>>
    tpu.wait_dma2 semaphore(%arg10 : memref<!tpu.dma_semaphore, #tpu.memory_space<semaphore_mem>>) src(%arg4 : memref<768xf32, #tpu.memory_space<hbm>>) dst(%dma_wait3A_638 : memref<768xf32, #tpu.memory_space<vmem>>)
    %dma_wait3A_639 = arith.constant 20 : i32
    %dma_wait3A_640 = arith.constant 0 : i32
    %dma_wait3A_641 = tpu.memref_slice %arg9[%dma_wait3A_639, %dma_wait3A_640] : memref<32x768xf32, #tpu.memory_space<vmem>> -> memref<1x768xf32, #tpu.memory_space<vmem>>
    %dma_wait3A_642 = tpu.memref_squeeze %dma_wait3A_641 : memref<1x768xf32, #tpu.memory_space<vmem>> -> memref<768xf32, #tpu.memory_space<vmem>>
    %dma_wait3A_643 = arith.constant 0 : i32
    %dma_wait3A_644 = tpu.memref_slice %arg9[%dma_wait3A_639, %dma_wait3A_643] : memref<32x768xf32, #tpu.memory_space<vmem>> -> memref<1x768xf32, #tpu.memory_space<vmem>>
    %dma_wait3A_645 = tpu.memref_squeeze %dma_wait3A_644 : memref<1x768xf32, #tpu.memory_space<vmem>> -> memref<768xf32, #tpu.memory_space<vmem>>
    tpu.wait_dma2 semaphore(%arg10 : memref<!tpu.dma_semaphore, #tpu.memory_space<semaphore_mem>>) src(%arg4 : memref<768xf32, #tpu.memory_space<hbm>>) dst(%dma_wait3A_645 : memref<768xf32, #tpu.memory_space<vmem>>)
    %dma_wait3A_646 = arith.constant 21 : i32
    %dma_wait3A_647 = arith.constant 0 : i32
    %dma_wait3A_648 = tpu.memref_slice %arg9[%dma_wait3A_646, %dma_wait3A_647] : memref<32x768xf32, #tpu.memory_space<vmem>> -> memref<1x768xf32, #tpu.memory_space<vmem>>
    %dma_wait3A_649 = tpu.memref_squeeze %dma_wait3A_648 : memref<1x768xf32, #tpu.memory_space<vmem>> -> memref<768xf32, #tpu.memory_space<vmem>>
    %dma_wait3A_650 = arith.constant 0 : i32
    %dma_wait3A_651 = tpu.memref_slice %arg9[%dma_wait3A_646, %dma_wait3A_650] : memref<32x768xf32, #tpu.memory_space<vmem>> -> memref<1x768xf32, #tpu.memory_space<vmem>>
    %dma_wait3A_652 = tpu.memref_squeeze %dma_wait3A_651 : memref<1x768xf32, #tpu.memory_space<vmem>> -> memref<768xf32, #tpu.memory_space<vmem>>
    tpu.wait_dma2 semaphore(%arg10 : memref<!tpu.dma_semaphore, #tpu.memory_space<semaphore_mem>>) src(%arg4 : memref<768xf32, #tpu.memory_space<hbm>>) dst(%dma_wait3A_652 : memref<768xf32, #tpu.memory_space<vmem>>)
    %dma_wait3A_653 = arith.constant 22 : i32
    %dma_wait3A_654 = arith.constant 0 : i32
    %dma_wait3A_655 = tpu.memref_slice %arg9[%dma_wait3A_653, %dma_wait3A_654] : memref<32x768xf32, #tpu.memory_space<vmem>> -> memref<1x768xf32, #tpu.memory_space<vmem>>
    %dma_wait3A_656 = tpu.memref_squeeze %dma_wait3A_655 : memref<1x768xf32, #tpu.memory_space<vmem>> -> memref<768xf32, #tpu.memory_space<vmem>>
    %dma_wait3A_657 = arith.constant 0 : i32
    %dma_wait3A_658 = tpu.memref_slice %arg9[%dma_wait3A_653, %dma_wait3A_657] : memref<32x768xf32, #tpu.memory_space<vmem>> -> memref<1x768xf32, #tpu.memory_space<vmem>>
    %dma_wait3A_659 = tpu.memref_squeeze %dma_wait3A_658 : memref<1x768xf32, #tpu.memory_space<vmem>> -> memref<768xf32, #tpu.memory_space<vmem>>
    tpu.wait_dma2 semaphore(%arg10 : memref<!tpu.dma_semaphore, #tpu.memory_space<semaphore_mem>>) src(%arg4 : memref<768xf32, #tpu.memory_space<hbm>>) dst(%dma_wait3A_659 : memref<768xf32, #tpu.memory_space<vmem>>)
    %dma_wait3A_660 = arith.constant 23 : i32
    %dma_wait3A_661 = arith.constant 0 : i32
    %dma_wait3A_662 = tpu.memref_slice %arg9[%dma_wait3A_660, %dma_wait3A_661] : memref<32x768xf32, #tpu.memory_space<vmem>> -> memref<1x768xf32, #tpu.memory_space<vmem>>
    %dma_wait3A_663 = tpu.memref_squeeze %dma_wait3A_662 : memref<1x768xf32, #tpu.memory_space<vmem>> -> memref<768xf32, #tpu.memory_space<vmem>>
    %dma_wait3A_664 = arith.constant 0 : i32
    %dma_wait3A_665 = tpu.memref_slice %arg9[%dma_wait3A_660, %dma_wait3A_664] : memref<32x768xf32, #tpu.memory_space<vmem>> -> memref<1x768xf32, #tpu.memory_space<vmem>>
    %dma_wait3A_666 = tpu.memref_squeeze %dma_wait3A_665 : memref<1x768xf32, #tpu.memory_space<vmem>> -> memref<768xf32, #tpu.memory_space<vmem>>
    tpu.wait_dma2 semaphore(%arg10 : memref<!tpu.dma_semaphore, #tpu.memory_space<semaphore_mem>>) src(%arg4 : memref<768xf32, #tpu.memory_space<hbm>>) dst(%dma_wait3A_666 : memref<768xf32, #tpu.memory_space<vmem>>)
    %dma_wait3A_667 = arith.constant 24 : i32
    %dma_wait3A_668 = arith.constant 0 : i32
    %dma_wait3A_669 = tpu.memref_slice %arg9[%dma_wait3A_667, %dma_wait3A_668] : memref<32x768xf32, #tpu.memory_space<vmem>> -> memref<1x768xf32, #tpu.memory_space<vmem>>
    %dma_wait3A_670 = tpu.memref_squeeze %dma_wait3A_669 : memref<1x768xf32, #tpu.memory_space<vmem>> -> memref<768xf32, #tpu.memory_space<vmem>>
    %dma_wait3A_671 = arith.constant 0 : i32
    %dma_wait3A_672 = tpu.memref_slice %arg9[%dma_wait3A_667, %dma_wait3A_671] : memref<32x768xf32, #tpu.memory_space<vmem>> -> memref<1x768xf32, #tpu.memory_space<vmem>>
    %dma_wait3A_673 = tpu.memref_squeeze %dma_wait3A_672 : memref<1x768xf32, #tpu.memory_space<vmem>> -> memref<768xf32, #tpu.memory_space<vmem>>
    tpu.wait_dma2 semaphore(%arg10 : memref<!tpu.dma_semaphore, #tpu.memory_space<semaphore_mem>>) src(%arg4 : memref<768xf32, #tpu.memory_space<hbm>>) dst(%dma_wait3A_673 : memref<768xf32, #tpu.memory_space<vmem>>)
    %dma_wait3A_674 = arith.constant 25 : i32
    %dma_wait3A_675 = arith.constant 0 : i32
    %dma_wait3A_676 = tpu.memref_slice %arg9[%dma_wait3A_674, %dma_wait3A_675] : memref<32x768xf32, #tpu.memory_space<vmem>> -> memref<1x768xf32, #tpu.memory_space<vmem>>
    %dma_wait3A_677 = tpu.memref_squeeze %dma_wait3A_676 : memref<1x768xf32, #tpu.memory_space<vmem>> -> memref<768xf32, #tpu.memory_space<vmem>>
    %dma_wait3A_678 = arith.constant 0 : i32
    %dma_wait3A_679 = tpu.memref_slice %arg9[%dma_wait3A_674, %dma_wait3A_678] : memref<32x768xf32, #tpu.memory_space<vmem>> -> memref<1x768xf32, #tpu.memory_space<vmem>>
    %dma_wait3A_680 = tpu.memref_squeeze %dma_wait3A_679 : memref<1x768xf32, #tpu.memory_space<vmem>> -> memref<768xf32, #tpu.memory_space<vmem>>
    tpu.wait_dma2 semaphore(%arg10 : memref<!tpu.dma_semaphore, #tpu.memory_space<semaphore_mem>>) src(%arg4 : memref<768xf32, #tpu.memory_space<hbm>>) dst(%dma_wait3A_680 : memref<768xf32, #tpu.memory_space<vmem>>)
    %dma_wait3A_681 = arith.constant 26 : i32
    %dma_wait3A_682 = arith.constant 0 : i32
    %dma_wait3A_683 = tpu.memref_slice %arg9[%dma_wait3A_681, %dma_wait3A_682] : memref<32x768xf32, #tpu.memory_space<vmem>> -> memref<1x768xf32, #tpu.memory_space<vmem>>
    %dma_wait3A_684 = tpu.memref_squeeze %dma_wait3A_683 : memref<1x768xf32, #tpu.memory_space<vmem>> -> memref<768xf32, #tpu.memory_space<vmem>>
    %dma_wait3A_685 = arith.constant 0 : i32
    %dma_wait3A_686 = tpu.memref_slice %arg9[%dma_wait3A_681, %dma_wait3A_685] : memref<32x768xf32, #tpu.memory_space<vmem>> -> memref<1x768xf32, #tpu.memory_space<vmem>>
    %dma_wait3A_687 = tpu.memref_squeeze %dma_wait3A_686 : memref<1x768xf32, #tpu.memory_space<vmem>> -> memref<768xf32, #tpu.memory_space<vmem>>
    tpu.wait_dma2 semaphore(%arg10 : memref<!tpu.dma_semaphore, #tpu.memory_space<semaphore_mem>>) src(%arg4 : memref<768xf32, #tpu.memory_space<hbm>>) dst(%dma_wait3A_687 : memref<768xf32, #tpu.memory_space<vmem>>)
    %dma_wait3A_688 = arith.constant 27 : i32
    %dma_wait3A_689 = arith.constant 0 : i32
    %dma_wait3A_690 = tpu.memref_slice %arg9[%dma_wait3A_688, %dma_wait3A_689] : memref<32x768xf32, #tpu.memory_space<vmem>> -> memref<1x768xf32, #tpu.memory_space<vmem>>
    %dma_wait3A_691 = tpu.memref_squeeze %dma_wait3A_690 : memref<1x768xf32, #tpu.memory_space<vmem>> -> memref<768xf32, #tpu.memory_space<vmem>>
    %dma_wait3A_692 = arith.constant 0 : i32
    %dma_wait3A_693 = tpu.memref_slice %arg9[%dma_wait3A_688, %dma_wait3A_692] : memref<32x768xf32, #tpu.memory_space<vmem>> -> memref<1x768xf32, #tpu.memory_space<vmem>>
    %dma_wait3A_694 = tpu.memref_squeeze %dma_wait3A_693 : memref<1x768xf32, #tpu.memory_space<vmem>> -> memref<768xf32, #tpu.memory_space<vmem>>
    tpu.wait_dma2 semaphore(%arg10 : memref<!tpu.dma_semaphore, #tpu.memory_space<semaphore_mem>>) src(%arg4 : memref<768xf32, #tpu.memory_space<hbm>>) dst(%dma_wait3A_694 : memref<768xf32, #tpu.memory_space<vmem>>)
    %dma_wait3A_695 = arith.constant 28 : i32
    %dma_wait3A_696 = arith.constant 0 : i32
    %dma_wait3A_697 = tpu.memref_slice %arg9[%dma_wait3A_695, %dma_wait3A_696] : memref<32x768xf32, #tpu.memory_space<vmem>> -> memref<1x768xf32, #tpu.memory_space<vmem>>
    %dma_wait3A_698 = tpu.memref_squeeze %dma_wait3A_697 : memref<1x768xf32, #tpu.memory_space<vmem>> -> memref<768xf32, #tpu.memory_space<vmem>>
    %dma_wait3A_699 = arith.constant 0 : i32
    %dma_wait3A_700 = tpu.memref_slice %arg9[%dma_wait3A_695, %dma_wait3A_699] : memref<32x768xf32, #tpu.memory_space<vmem>> -> memref<1x768xf32, #tpu.memory_space<vmem>>
    %dma_wait3A_701 = tpu.memref_squeeze %dma_wait3A_700 : memref<1x768xf32, #tpu.memory_space<vmem>> -> memref<768xf32, #tpu.memory_space<vmem>>
    tpu.wait_dma2 semaphore(%arg10 : memref<!tpu.dma_semaphore, #tpu.memory_space<semaphore_mem>>) src(%arg4 : memref<768xf32, #tpu.memory_space<hbm>>) dst(%dma_wait3A_701 : memref<768xf32, #tpu.memory_space<vmem>>)
    %dma_wait3A_702 = arith.constant 29 : i32
    %dma_wait3A_703 = arith.constant 0 : i32
    %dma_wait3A_704 = tpu.memref_slice %arg9[%dma_wait3A_702, %dma_wait3A_703] : memref<32x768xf32, #tpu.memory_space<vmem>> -> memref<1x768xf32, #tpu.memory_space<vmem>>
    %dma_wait3A_705 = tpu.memref_squeeze %dma_wait3A_704 : memref<1x768xf32, #tpu.memory_space<vmem>> -> memref<768xf32, #tpu.memory_space<vmem>>
    %dma_wait3A_706 = arith.constant 0 : i32
    %dma_wait3A_707 = tpu.memref_slice %arg9[%dma_wait3A_702, %dma_wait3A_706] : memref<32x768xf32, #tpu.memory_space<vmem>> -> memref<1x768xf32, #tpu.memory_space<vmem>>
    %dma_wait3A_708 = tpu.memref_squeeze %dma_wait3A_707 : memref<1x768xf32, #tpu.memory_space<vmem>> -> memref<768xf32, #tpu.memory_space<vmem>>
    tpu.wait_dma2 semaphore(%arg10 : memref<!tpu.dma_semaphore, #tpu.memory_space<semaphore_mem>>) src(%arg4 : memref<768xf32, #tpu.memory_space<hbm>>) dst(%dma_wait3A_708 : memref<768xf32, #tpu.memory_space<vmem>>)
    %dma_wait3A_709 = arith.constant 30 : i32
    %dma_wait3A_710 = arith.constant 0 : i32
    %dma_wait3A_711 = tpu.memref_slice %arg9[%dma_wait3A_709, %dma_wait3A_710] : memref<32x768xf32, #tpu.memory_space<vmem>> -> memref<1x768xf32, #tpu.memory_space<vmem>>
    %dma_wait3A_712 = tpu.memref_squeeze %dma_wait3A_711 : memref<1x768xf32, #tpu.memory_space<vmem>> -> memref<768xf32, #tpu.memory_space<vmem>>
    %dma_wait3A_713 = arith.constant 0 : i32
    %dma_wait3A_714 = tpu.memref_slice %arg9[%dma_wait3A_709, %dma_wait3A_713] : memref<32x768xf32, #tpu.memory_space<vmem>> -> memref<1x768xf32, #tpu.memory_space<vmem>>
    %dma_wait3A_715 = tpu.memref_squeeze %dma_wait3A_714 : memref<1x768xf32, #tpu.memory_space<vmem>> -> memref<768xf32, #tpu.memory_space<vmem>>
    tpu.wait_dma2 semaphore(%arg10 : memref<!tpu.dma_semaphore, #tpu.memory_space<semaphore_mem>>) src(%arg4 : memref<768xf32, #tpu.memory_space<hbm>>) dst(%dma_wait3A_715 : memref<768xf32, #tpu.memory_space<vmem>>)
    %dma_wait3A_716 = arith.constant 31 : i32
    %dma_wait3A_717 = arith.constant 0 : i32
    %dma_wait3A_718 = tpu.memref_slice %arg9[%dma_wait3A_716, %dma_wait3A_717] : memref<32x768xf32, #tpu.memory_space<vmem>> -> memref<1x768xf32, #tpu.memory_space<vmem>>
    %dma_wait3A_719 = tpu.memref_squeeze %dma_wait3A_718 : memref<1x768xf32, #tpu.memory_space<vmem>> -> memref<768xf32, #tpu.memory_space<vmem>>
    %dma_wait3A_720 = arith.constant 0 : i32
    %dma_wait3A_721 = tpu.memref_slice %arg9[%dma_wait3A_716, %dma_wait3A_720] : memref<32x768xf32, #tpu.memory_space<vmem>> -> memref<1x768xf32, #tpu.memory_space<vmem>>
    %dma_wait3A_722 = tpu.memref_squeeze %dma_wait3A_721 : memref<1x768xf32, #tpu.memory_space<vmem>> -> memref<768xf32, #tpu.memory_space<vmem>>
    tpu.wait_dma2 semaphore(%arg10 : memref<!tpu.dma_semaphore, #tpu.memory_space<semaphore_mem>>) src(%arg4 : memref<768xf32, #tpu.memory_space<hbm>>) dst(%dma_wait3A_722 : memref<768xf32, #tpu.memory_space<vmem>>)
    %while3A = arith.constant 0 : i32
    %while3A_723 = arith.constant 0 : i32
    %while3A_724 = arith.subi %shift_right_arithmetic3A_492, %while3A : i32
    %while3A_725 = arith.addi %while3A, %while3A_724 : i32
    %while3A_726 = arith.constant 1 : i32
    %while3A_727 = arith.divsi %while3A_724, %while3A_726 : i32
    %while3A_728 = arith.muli %while3A_727, %while3A_726 : i32
    %while3A_729 = arith.addi %while3A, %while3A_728 : i32
    %while3A_730 = arith.constant 1 : i32
    %while3A_731 = scf.for %while3A_746 = %while3A to %while3A_729 step %while3A_730 iter_args(%while3A_747 = %while3A_723) -> (i32)  : i32 {
      %dma_start3A_748 = arith.constant 0 : i32
      %dma_start3A_749 = tpu.memref_slice %arg7[%while3A_746, %dma_start3A_748] : memref<32x32xi32, #tpu.memory_space<vmem>> -> memref<1x32xi32, #tpu.memory_space<vmem>>
      %dma_start3A_750 = tpu.memref_squeeze %dma_start3A_749 : memref<1x32xi32, #tpu.memory_space<vmem>> -> memref<32xi32, #tpu.memory_space<vmem>>
      %dma_start3A_751 = arith.constant 0 : i32
      %dma_start3A_752 = arith.constant 0 : i32
      %dma_start3A_753 = tpu.memref_slice %arg5[%dma_start3A_751, %dma_start3A_752] : memref<32800x768xf32, #tpu.memory_space<hbm>> -> memref<32800x768xf32, #tpu.memory_space<hbm>>
      tpu.enqueue_indirect_dma source(%arg9 : memref<32x768xf32, #tpu.memory_space<vmem>>) target(%dma_start3A_753 : memref<32800x768xf32, #tpu.memory_space<hbm>>) offsets(%dma_start3A_750 : memref<32xi32, #tpu.memory_space<vmem>>) semaphore(%arg11 : memref<!tpu.dma_semaphore, #tpu.memory_space<semaphore_mem>>)
      %while3A_754 = arith.constant 0 : i32
      scf.yield %while3A_754 : i32
    }
    %while3A_732 = arith.constant 1 : i32
    %while3A_733 = scf.for %while3A_746 = %while3A_729 to %while3A_725 step %while3A_732 iter_args(%while3A_747 = %while3A_731) -> (i32)  : i32 {
      %dma_start3A_748 = arith.constant 0 : i32
      %dma_start3A_749 = tpu.memref_slice %arg7[%while3A_746, %dma_start3A_748] : memref<32x32xi32, #tpu.memory_space<vmem>> -> memref<1x32xi32, #tpu.memory_space<vmem>>
      %dma_start3A_750 = tpu.memref_squeeze %dma_start3A_749 : memref<1x32xi32, #tpu.memory_space<vmem>> -> memref<32xi32, #tpu.memory_space<vmem>>
      %dma_start3A_751 = arith.constant 0 : i32
      %dma_start3A_752 = arith.constant 0 : i32
      %dma_start3A_753 = tpu.memref_slice %arg5[%dma_start3A_751, %dma_start3A_752] : memref<32800x768xf32, #tpu.memory_space<hbm>> -> memref<32800x768xf32, #tpu.memory_space<hbm>>
      tpu.enqueue_indirect_dma source(%arg9 : memref<32x768xf32, #tpu.memory_space<vmem>>) target(%dma_start3A_753 : memref<32800x768xf32, #tpu.memory_space<hbm>>) offsets(%dma_start3A_750 : memref<32xi32, #tpu.memory_space<vmem>>) semaphore(%arg11 : memref<!tpu.dma_semaphore, #tpu.memory_space<semaphore_mem>>)
      %while3A_754 = arith.constant 0 : i32
      scf.yield %while3A_754 : i32
    }
    %while3A_734 = arith.constant 0 : i32
    %while3A_735 = arith.constant 0 : i32
    %while3A_736 = arith.subi %shift_right_arithmetic3A_492, %while3A_734 : i32
    %while3A_737 = arith.addi %while3A_734, %while3A_736 : i32
    %while3A_738 = arith.constant 1 : i32
    %while3A_739 = arith.divsi %while3A_736, %while3A_738 : i32
    %while3A_740 = arith.muli %while3A_739, %while3A_738 : i32
    %while3A_741 = arith.addi %while3A_734, %while3A_740 : i32
    %while3A_742 = arith.constant 1 : i32
    %while3A_743 = scf.for %while3A_746 = %while3A_734 to %while3A_741 step %while3A_742 iter_args(%while3A_747 = %while3A_735) -> (i32)  : i32 {
      %dma_wait3A_748 = arith.constant 0 : i32
      %dma_wait3A_749 = arith.constant 0 : i32
      %dma_wait3A_750 = tpu.memref_slice %arg7[%dma_wait3A_748, %dma_wait3A_749] : memref<32x32xi32, #tpu.memory_space<vmem>> -> memref<1x32xi32, #tpu.memory_space<vmem>>
      %dma_wait3A_751 = tpu.memref_squeeze %dma_wait3A_750 : memref<1x32xi32, #tpu.memory_space<vmem>> -> memref<32xi32, #tpu.memory_space<vmem>>
      %dma_wait3A_752 = arith.constant 0 : i32
      %dma_wait3A_753 = arith.constant 0 : i32
      %dma_wait3A_754 = tpu.memref_slice %arg5[%dma_wait3A_752, %dma_wait3A_753] : memref<32800x768xf32, #tpu.memory_space<hbm>> -> memref<32800x768xf32, #tpu.memory_space<hbm>>
      tpu.wait_indirect_dma semaphore(%arg11 : memref<!tpu.dma_semaphore, #tpu.memory_space<semaphore_mem>>) src(%arg9 : memref<32x768xf32, #tpu.memory_space<vmem>>) dst(%dma_wait3A_754 : memref<32800x768xf32, #tpu.memory_space<hbm>>)
      %while3A_755 = arith.constant 0 : i32
      scf.yield %while3A_755 : i32
    }
    %while3A_744 = arith.constant 1 : i32
    %while3A_745 = scf.for %while3A_746 = %while3A_741 to %while3A_737 step %while3A_744 iter_args(%while3A_747 = %while3A_743) -> (i32)  : i32 {
      %dma_wait3A_748 = arith.constant 0 : i32
      %dma_wait3A_749 = arith.constant 0 : i32
      %dma_wait3A_750 = tpu.memref_slice %arg7[%dma_wait3A_748, %dma_wait3A_749] : memref<32x32xi32, #tpu.memory_space<vmem>> -> memref<1x32xi32, #tpu.memory_space<vmem>>
      %dma_wait3A_751 = tpu.memref_squeeze %dma_wait3A_750 : memref<1x32xi32, #tpu.memory_space<vmem>> -> memref<32xi32, #tpu.memory_space<vmem>>
      %dma_wait3A_752 = arith.constant 0 : i32
      %dma_wait3A_753 = arith.constant 0 : i32
      %dma_wait3A_754 = tpu.memref_slice %arg5[%dma_wait3A_752, %dma_wait3A_753] : memref<32800x768xf32, #tpu.memory_space<hbm>> -> memref<32800x768xf32, #tpu.memory_space<hbm>>
      tpu.wait_indirect_dma semaphore(%arg11 : memref<!tpu.dma_semaphore, #tpu.memory_space<semaphore_mem>>) src(%arg9 : memref<32x768xf32, #tpu.memory_space<vmem>>) dst(%dma_wait3A_754 : memref<32800x768xf32, #tpu.memory_space<hbm>>)
      %while3A_755 = arith.constant 0 : i32
      scf.yield %while3A_755 : i32
    }
    return
  }
}

</mosaic_0001>

<sc_bundles>
// kernel: kernel.3.cloned.1.call-start
scs
__scs_entry_jumppad:
0x0: {  	(pc) =	sbr.rel $0x88, $3  }
0x1: {  	(tag) =	ssettag $0x0;
	lr =	simm.s32 $0x1  }
0x2: {  	[smem:$0x3F9E] =	sst lr;
	_ =	strace $0xD0000000  }
0x3: {  	_ = 	snop  }
0x4: {  	_ = 	snop  }
0x5: {  	_ = 	snop  }
0x6: {  	_ = 	snop  }
0x7: {  	_ = 	snop  }
__scs_overlays_trampoline_lowered:
0x8: {  	[smem:$0x3FAD] =	sst s0  }
0x9: {  	[smem:$0x3FAE] =	sst s1  }
0xa: {  	[smem:$0x3FAF] =	sst s2  }
0xb: {  	[smem:$0x3FB0] =	sst s3  }
0xc: {  	[smem:$0x3FB1] =	sst s4  }
0xd: {  	[smem:$0x3FB2] =	sst s5  }
0xe: {  	[smem:$0x3FB3] =	sst s6  }
0xf: {  	[smem:$0x3FB4] =	sst s7  }
0x10: {  	[smem:$0x3FB5] =	sst s8  }
0x11: {  	[smem:$0x3FB6] =	sst s9;
	s0 =	simm.s32 @!p0 $0x0  }
0x12: {  	s1 =	sld [smem:$0x3F9C];
	s0 =	simm.s32 @p0 $0x1  }
0x13: {  	[smem:$0x3FB7] =	sst s0;
	s0 =	simm.s32 @!p1 $0x0  }
0x14: {  	s2 =	sld [smem:$0x3F9B];
	s0 =	simm.s32 @p1 $0x1  }
0x15: {  	[smem:$0x3FB8] =	sst s0;
	s0 =	simm.s32 @!p2 $0x0  }
0x16: {  	s3 =	sld [smem:$0x3FDB];
	s0 =	simm.s32 @p2 $0x1  }
0x17: {  	s4 =	simm.s32 $0x1BF5;
	[smem:$0x3FBA] =	sst s0  }
0x18: {  	s0 =	sld [smem:$0x3F9D];
	_ =	swait.ge [sflag:s4], $0x0  }
0x19: {  	s7 =	sld [smem:$0x3F9E]  }
0x1a: {  	s8 =	sadd.s32 $0xFFFFE003, lr  }
0x1b: {  	s9 =	sadd.s32 $0xFFFFFEF7, lr;
	s5 =	simm.s32 $0xFFFFFFFF;
	p2 =	slt.u32 s8, $0xFFFFF086  }
0x1c: {  	p1 =	slt.u32 s9, $0xF7A;
	s5 =	simm.s32 @!p2 $0x0  }
0x1d: {  	s5 =	simm.s32 @p1 $0x1;
	p0 =	seq.s32 s7, s2  }
0x1e: {  	s7 =	smul.u32 @!p0 $0xF7A, s2;
	p2 =	seq.s32 @!p0 s5, $0x0  }
0x1f: {  	s9 =	smul.u32 $0xF7A, s1;
	s8 =	simm.s32 @!p0 $0x1BF5;
	p2 =	por !p2, p0  }
0x20: {  	[sflag:s8] =	ssyncset.s32 @!p0 $0xFFFFF086;
	s6 =	sadd.s32 @!p0 s3, s7;
	s7 =	simm.s32 @!p0 $0x108  }
0x21: {  	s3 =	sadd.s32 s3, s9;
	s6 =	sadd.s32 @!p0 $0x88, s6;
	s7 =	simm.s32 @p2 $0x1082  }
0x22: {  	[simem:s7], [sflag:s8] =	dma.local @!p0 [hbm:s6], $0xF7A  }
0x23: {  	s9 =	sor.u32 $0xD0000000, s2;
	s6 =	simm.s32 $0x108;
	_ =	swait.ge @!p0 [sflag:s8], $0x0  }
0x24: {  	s3 =	sadd.s32 $0x88, s3;
	s6 =	simm.s32 @!p1 $0x1082;
	[sflag:s4] =	ssyncset.s32 $0xFFFFF086  }
0x25: {  	[simem:s6], [sflag:s4] =	dma.local [hbm:s3], $0xF7A  }
0x26: {  	[smem:$0x3F9E] =	sst s1;
	(tag) =	ssettag s2;
	_ =	strace s9  }
0x27: {  	s1 =	sld [smem:$0x3FAE]  }
0x28: {  	s2 =	sld [smem:$0x3FAF]  }
0x29: {  	s4 =	sld [smem:$0x3FB1]  }
0x2a: {  	p0 =	seq.s32 s5, $0x0;
	s5 =	sld [smem:$0x3FB2]  }
0x2b: {  	s6 =	sld [smem:$0x3FB3]  }
0x2c: {  	s7 =	sld [smem:$0x3FB4]  }
0x2d: {  	s3 =	simm.s32 $0x108;
	s8 =	sld [smem:$0x3FB5]  }
0x2e: {  	s3 =	simm.s32 @!p0 $0x1082;
	s9 =	sld [smem:$0x3FB6]  }
0x2f: {  	lr =	sadd.s32 s0, s3;
	s0 =	sld [smem:$0x3FAD]  }
0x30: {  	s3 =	sld [smem:$0x3FB0]  }
0x31: {  	[smem:$0x3FB9] =	sst s10  }
0x32: {  	s10 =	sld [smem:$0x3FB7];
	_ =	sdelay $0x3  }
0x33: {  	p0 =	seq.s32 s10, $0x1;
	s10 =	sld [smem:$0x3FB9];
	_ =	sdelay $0x3  }
0x34: {  	[smem:$0x3FB9] =	sst s10  }
0x35: {  	s10 =	sld [smem:$0x3FB8];
	_ =	sdelay $0x3  }
0x36: {  	p1 =	seq.s32 s10, $0x1;
	s10 =	sld [smem:$0x3FB9];
	_ =	sdelay $0x3  }
0x37: {  	[smem:$0x3FB9] =	sst s10  }
0x38: {  	s10 =	sld [smem:$0x3FBA]  }
0x39: {  	_ = 	snop;
	(pc) =	sbr.ind lr, $3  }
0x3a: {  	_ = 	snop  }
0x3b: {  	_ = 	snop  }
0x3c: {  	p2 =	seq.s32 s10, $0x1;
	s10 =	sld [smem:$0x3FB9]  }
0x3d: {  	_ =	shalt  }
0x3e: {  	_ =	shalt  }
0x3f: {  	_ =	shalt  }
0x40: {  	_ =	shalt  }
0x41: {  	_ =	shalt  }
0x42: {  	_ =	shalt  }
0x43: {  	_ =	shalt  }
0x44: {  	_ =	shalt  }
0x45: {  	_ =	shalt  }
0x46: {  	_ =	shalt  }
0x47: {  	_ =	shalt  }
0x48: {  	_ =	shalt  }
0x49: {  	_ =	shalt  }
0x4a: {  	_ =	shalt  }
0x4b: {  	_ =	shalt  }
0x4c: {  	_ =	shalt  }
0x4d: {  	_ =	shalt  }
0x4e: {  	_ =	shalt  }
0x4f: {  	_ =	shalt  }
0x50: {  	_ =	shalt  }
0x51: {  	_ =	shalt  }
0x52: {  	_ =	shalt  }
0x53: {  	_ =	shalt  }
0x54: {  	_ =	shalt  }
0x55: {  	_ =	shalt  }
0x56: {  	_ =	shalt  }
0x57: {  	_ =	shalt  }
0x58: {  	_ =	shalt  }
0x59: {  	_ =	shalt  }
0x5a: {  	_ =	shalt  }
0x5b: {  	_ =	shalt  }
0x5c: {  	_ =	shalt  }
0x5d: {  	_ =	shalt  }
0x5e: {  	_ =	shalt  }
0x5f: {  	_ =	shalt  }
0x60: {  	_ =	shalt  }
0x61: {  	_ =	shalt  }
0x62: {  	_ =	shalt  }
0x63: {  	_ =	shalt  }
0x64: {  	_ =	shalt  }
0x65: {  	_ =	shalt  }
0x66: {  	_ =	shalt  }
0x67: {  	_ =	shalt  }
0x68: {  	_ =	shalt  }
0x69: {  	_ =	shalt  }
0x6a: {  	_ =	shalt  }
0x6b: {  	_ =	shalt  }
0x6c: {  	_ =	shalt  }
0x6d: {  	_ =	shalt  }
0x6e: {  	_ =	shalt  }
0x6f: {  	_ =	shalt  }
0x70: {  	_ =	shalt  }
0x71: {  	_ =	shalt  }
0x72: {  	_ =	shalt  }
0x73: {  	_ =	shalt  }
0x74: {  	_ =	shalt  }
0x75: {  	_ =	shalt  }
0x76: {  	_ =	shalt  }
0x77: {  	_ =	shalt  }
0x78: {  	_ =	shalt  }
0x79: {  	_ =	shalt  }
0x7a: {  	_ =	shalt  }
0x7b: {  	_ =	shalt  }
0x7c: {  	_ =	shalt  }
0x7d: {  	_ =	shalt  }
0x7e: {  	_ =	shalt  }
0x7f: {  	_ =	shalt  }
0x80: {  	_ =	shalt  }
0x81: {  	_ =	shalt  }
0x82: {  	_ =	shalt  }
0x83: {  	_ =	shalt  }
0x84: {  	_ =	shalt  }
0x85: {  	_ =	shalt  }
0x86: {  	_ =	shalt  }
0x87: {  	_ =	shalt  }
.Lfunc_end0:
.L_simem_size_0:
called_computation_lowered:
.L_overlay_start_0:
0x88: {  	s2 =	sld [smem:$0x3FD9]  }
0x89: {  	s3 =	sld [smem:$0x3FFE];
	_ =	sdelay $0x1  }
0x8a: {  	s1 =	srdreg.scid  }
0x8b: {  	s0 =	sand.u32 $0x1, s1  }
0x8c: {  	s17 =	sshll.u32 s0, $0xA;
	s2 =	sadd.s32 s3, s2  }
0x8d: {  	s2 =	sadd.s32 s2, s17  }
0x8e: {  	[smem:$0x3FC5] =	sst s2  }
0x8f: {  	_ = 	snop  }
0x90: {  	s2 =	sld [smem:$0x3FC9]  }
0x91: {  	s18 =	sld [smem:$0x3FC7]  }
0x92: {  	s4 =	sld [smem:$0x3FD0];
	(tm) =	ssettm $0x1  }
0x93: {  	s5 =	sld [smem:$0x3FFB];
	_ =	sdelay $0x3  }
0x94: {  	_ =	strace s5  }
0x95: {  	s5 =	sld [smem:$0x3FFC];
	_ =	sdelay $0x3  }
0x96: {  	_ =	strace s5  }
0x97: {  	s5 =	sld [smem:$0x3FFD];
	_ =	sdelay $0x3  }
0x98: {  	_ =	strace s5  }
0x99: {  	_ =	strace $0x8FFFFFFF  }
0x9a: {  	s19 =	sld [smem:$0x3FDB];
	_ =	sdelay $0x1  }
0x9b: {  	s6 =	simm.s32 $_scs_section_size  }
0x9c: {  	s7 =	simm.s32 $_size__tile_overlayer_lowered;
	s8 =	simm.s32 $_tile_overlayer_lowered  }
0x9d: {  	s22 =	simm.s32 $0x1BFF;
	s21 =	sshll.u32 s8, $0x1;
	s5 =	sadd.s32 s6, s19  }
0x9e: {  	s9 =	simm.s32 $0x0;
	s20 =	sshll.u32 s7, $0x1;
	s7 =	sadd.s32 s21, s5  }
0x9f: {  	[timem:s9], [sflag:s22] =	dma.local [hbm:s7], s20  }
0xa0: {  	_ =	swait.ge [sflag:s22], s20  }
0xa1: {  	s6 =	ssub.s32 $0x0, s20;
	[sflag:s22] =	ssyncset.done $0x0  }
0xa2: {  	[sflag:s22] =	ssyncadd.s32 s6;
	_ =	sdelay $0x1  }
0xa3: {  	s23 =	simm.s32 $0x1B8B  }
0xa4: {  	_ =	swait.ge [sflag:s23], $0x1  }
0xa5: {  	[sflag:s23] =	ssyncset.done $0x0  }
0xa6: {  	s25 =	simm.s32 $0x1B8E;
	s24 =	sld [smem:$0x3FFE];
	[sflag:s23] =	ssyncadd.s32 $0xFFFFFFFF  }
0xa7: {  	s26 =	simm.s32 $execute0_lowered;
	[smem:$0x3FD2] =	sst s25  }
0xa8: {  	s7 =	sshll.u32 s26, $0x1;
	_ =	strace $0x80000046;
	[dreg:$0x1] =	wrdreg $0xFFFFFFFF  }
0xa9: {  	s28 =	simm.s32 $_size_execute0_lowered;
	s5 =	sadd.s32 s5, s7;
	[dreg:$0x0] =	wrdreg $0x0  }
0xaa: {  	s7 =	sshll.u32 s28, $0x1;
	[dreg:$0x2] =	wrdreg s5  }
0xab: {  	[dreg:$0x3] =	wrdreg s7  }
0xac: {  	[dreg:$0x4] =	wrdreg $0xC0  }
0xad: {  	_ =	task [dreg:s9], $0x5FFFF  }
0xae: {  	[dreg:$0x1] =	wrdreg $0xFFFFFFFF  }
0xaf: {  	[dreg:$0x0] =	wrdreg $0x60  }
0xb0: {  	[dreg:$0x2] =	wrdreg s2  }
0xb1: {  	[dreg:$0x3] =	wrdreg s4  }
0xb2: {  	[dreg:$0x4] =	wrdreg s18  }
0xb3: {  	[dreg:$0x5] =	wrdreg s24  }
0xb4: {  	[dreg:$0x6] =	wrdreg $0x9  }
0xb5: {  	_ =	task.clear_ibuf [dreg:s9], $0x7FFFF;
	_ =	strace $0x90000046  }
0xb6: {  	s29 =	simm.s32 $0x9;
	_ =	strace $0x80000048  }
0xb7: {  	_ =	swait.ge [sflag:s29], $0x1  }
0xb8: {  	[sflag:s29] =	ssyncadd.s32 $0xFFFFFFFF  }
0xb9: {  	_ =	strace $0x90000048  }
0xba: {  	_ =	sfence  }
0xbb: {  	s30 =	sld [smem:$0x0];
	_ =	sdelay $0x2  }
0xbc: {  	s31 =	sshll.u32 s1, $0xD;
	s1 =	sshrl.u32 s1, $0x2  }
0xbd: {  	s3 =	sand.u32 $0x4000, s31;
	s1 =	sadd.s32 s1, s30  }
0xbe: {  	s0 =	sor.u32 s3, s0;
	s1 =	sshll.u32 s1, $0x11  }
0xbf: {  	s0 =	sor.u32 s1, s0  }
0xc0: {  	s0 =	sadd.s32 $0x8F2B, s0  }
0xc1: {  	[sflag:s0] =	ssyncadd.remote.s32 $0x1  }
0xc2: {  	_ =	sfence.sel $0xFFFF  }
0xc3: {  	[dreg:$0x0] =	wrdreg $0xFFFFFFFF;
	(pc) =	sbr.abs _section_cstart, $3  }
0xc4: {  	[dreg:$0x1] =	wrdreg $0xFFFFFFFF  }
0xc5: {  	_ =	task.clear_ibuf [dreg:s9], $0x2FFFF;
	_ =	strace $0x9FFFFFFF  }
0xc6: {  	(tm) =	ssettm $0x7FFFFFFF  }
0xc7: {  	_ =	shalt  }
tec
execute0_lowered:
.L_overlay_start_1:
0x0: {  	(tag) =	ssettag $0x1  }
0x1: {  	s0 =	rddreg [dreg:$0x0]  }
0x2: {  	s3 =	rddreg [dreg:$0x1]  }
0x3: {  	s1 =	rddreg [dreg:$0x2]  }
0x4: {  	s6 =	rddreg [dreg:$0x3]  }
0x5: {  	s4 =	srdreg.scid;
	s2 =	simm.s32 $0x0;
	s10 =	stileid.u32  }
0x6: {  	s28 =	simm.s32 $0x1C400;
	s30 =	simm.s32 $0x1D400;
	s31 =	simm.s32 $0x1DC00  }
0x7: {  	s29 =	simm.s32 $0x400;
	s5 =	sand.u32 $0x1, s4;
	[smem:$0x7FF] =	sst s2  }
0x8: {  	s4 =	sadd.s32 $0x400, s6;
	s17 =	sshll.u32 s10, $0x1;
	s18 =	sshll.u32 s10, $0xB  }
0x9: {  	s23 =	sadd.s32 $0x10, s1;
	s24 =	sadd.s32 $0x20, s1;
	s25 =	sadd.s32 $0x30, s1  }
0xa: {  	s26 =	sadd.s32 $0x40, s1;
	_ =	strace $0x80000047;
	[dreg:$0x8] =	wrdreg s23  }
0xb: {  	s14 =	sadd.s32 $0x50, s1;
	s1 =	simm.s32 $0x0;
	[dreg:$0x9] =	wrdreg s24  }
0xc: {  	s7 =	ssub.s32 $0x2, s5;
	s19 =	sshll.u32 s5, $0xA;
	[dreg:$0xa] =	wrdreg s25  }
0xd: {  	[dreg:$0xb] =	wrdreg s26;
	s23 =	simm.s32 $0x1B400;
	s25 =	simm.s32 $0x1BC00  }
0xe: {  	s24 =	simm.s32 $0x1CC00;
	s26 =	simm.s32 $0xD400;
	s8 =	sshrl.u32 s7, $0x1  }
0xf: {  	s9 =	ssub.s32 s7, s8;
	s7 =	sor.u32 s5, s17;
	s8 =	sor.u32 s19, s18  }
0x10: {  	s19 =	simm.s32 $0x1400;
	s17 =	simm.s32 $0x5;
	s5 =	simm.s32 $0x6  }
0x11: {  	s18 =	simm.s32 $0x1;
	s20 =	sor.u32 $0x8000, s7;
	s7 =	sshll.u32 s7, $0x7  }
0x12: {  	[dreg:$0x5] =	wrdreg s8;
	s21 =	sshrl.u32 s8, $0x3;
	s8 =	sadd.s32 $0x600, s6  }
.Ltmp0:
0x13: {  	s22 =	smax.u32 s9, $0x1;
	s9 =	simm.s32 $0x4;
	(pc) =	sbr.rel .LBB2_1-.Ltmp0, $4  }
0x14: {  	s3 =	sadd.s32 s3, s7;
	s7 =	sadd.s32 $0x500, s6;
	[dreg:$0x7] =	wrdreg s22  }
0x15: {  	v1 =	vlaneseq.u32;
	v2 =	vimm.s32 $0x0;
	s22 =	simm.s32 $0x1AC00;
	[dreg:$0x6] =	wrdreg s3;
	s3 =	smul.u32 $0x300, s21  }
0x16: {  	vm0 =	vmmov $0xffff;
	v4 =	vshrl.u32 v1, $0x3;
	v0 =	vmov s20;
	s6 =	simm.s32 $0x3;
	s20 =	simm.s32 $0x2;
	s21 =	simm.s32 $0x19400  }
0x17: {  	v3 =	vand.u32 $0x7, v1;
	v5 =	vor.u32 $0x8, v1;
	v4 =	vmul.u32 $0x8, v4;
	s15 =	sadd.s32 s3, s4;
	s16 =	sadd.s32 s3, s0;
	s3 =	simm.s32 $0x1A400  }
.LBB2_9:
0x18: {  	[sflag:s20] =	ssyncadd.s32 $0xFFFFA000  }
.LBB2_10:
0x19: {  	s1 =	rddreg [dreg:$0xc]  }
0x1a: {  	s0 =	rddreg [dreg:$0x7];
	s1 =	sadd.s32 $0x1, s1  }
0x1b: {  	p0 =	sne.s32 s1, s0  }
.Ltmp1:
0x1c: {  	_ = 	snop;
	(pc) =	sbr.rel @!p0 .LBB2_11-.Ltmp1, $4  }
0x1d: {  	_ = 	snop  }
0x1e: {  	s3 =	simm.s32 $0x1A400;
	s22 =	simm.s32 $0x1AC00  }
0x1f: {  	s23 =	simm.s32 $0x1B400;
	s25 =	simm.s32 $0x1BC00;
	s28 =	simm.s32 $0x1C400  }
0x20: {  	s24 =	simm.s32 $0x1CC00;
	s30 =	simm.s32 $0x1D400;
	s31 =	simm.s32 $0x1DC00  }
.LBB2_1:
0x21: {  	[dreg:$0xc] =	wrdreg s1  }
0x22: {  	s0 =	rddreg [dreg:$0x6];
	s10 =	simm.s32 $0x7  }
0x23: {  	[tilespmem:s2], [sflag:$0x7] =	stream.linear.gather [hbm4b:s0+s2], $0x400, $0x38;
	[tilespmem:$0x1F400] =	vst v63  }
0x24: {  	_ =	swait.ge [sflag:s10], $0x400  }
0x25: {  	[sflag:s10] =	ssyncset.done $0x0  }
0x26: {  	[sflag:s10] =	ssyncadd.s32 $0xFFFFFC00  }
0x27: {  	s1 =	rddreg [dreg:$0x2]  }
0x28: {  	[tilespmem:s21], [sflag:$0x1] =	stream.linear.gather [hbm4b:s1+s2], $0x80, $0x38;
	[tilespmem:$0x1F400] =	vst v63  }
0x29: {  	s11 =	simm.s32 $0x19800;
	s10 =	rddreg [dreg:$0x8]  }
0x2a: {  	[tilespmem:s11], [sflag:$0x1] =	stream.linear.gather [hbm4b:s10+s2], $0x80, $0x38;
	[tilespmem:$0x1F400] =	vst v63  }
0x2b: {  	s12 =	simm.s32 $0x19C00;
	s11 =	rddreg [dreg:$0x9]  }
0x2c: {  	[tilespmem:s12], [sflag:$0x1] =	stream.linear.gather [hbm4b:s11+s2], $0x80, $0x38;
	[tilespmem:$0x1F400] =	vst v63  }
0x2d: {  	s13 =	simm.s32 $0x1A000;
	s12 =	rddreg [dreg:$0xa]  }
0x2e: {  	[tilespmem:s13], [sflag:$0x1] =	stream.linear.gather [hbm4b:s12+s2], $0x80, $0x38;
	[tilespmem:$0x1F400] =	vst v63  }
0x2f: {  	s13 =	rddreg [dreg:$0xb]  }
0x30: {  	[tilespmem:s3], [sflag:$0x1] =	stream.linear.gather [hbm4b:s13+s2], $0x80, $0x38;
	[tilespmem:$0x1F400] =	vst v63  }
0x31: {  	s21 =	simm.s32 $0x1A800  }
0x32: {  	[tilespmem:s21], [sflag:$0x1] =	stream.linear.gather [hbm4b:s14+s2], $0x80, $0x38;
	[tilespmem:$0x1F400] =	vst v63  }
0x33: {  	s3 =	simm.s32 $0x19480  }
0x34: {  	[tilespmem:s3], [sflag:$0x1] =	stream.linear.gather [hbm4b:s1+s2], $0x80, $0x38;
	[tilespmem:$0x1F400] =	vst v63  }
0x35: {  	s21 =	simm.s32 $0x19880  }
0x36: {  	[tilespmem:s21], [sflag:$0x1] =	stream.linear.gather [hbm4b:s10+s2], $0x80, $0x38;
	[tilespmem:$0x1F400] =	vst v63  }
0x37: {  	s3 =	simm.s32 $0x19C80  }
0x38: {  	[tilespmem:s3], [sflag:$0x1] =	stream.linear.gather [hbm4b:s11+s2], $0x80, $0x38;
	[tilespmem:$0x1F400] =	vst v63  }
0x39: {  	s21 =	simm.s32 $0x1A080  }
0x3a: {  	[tilespmem:s21], [sflag:$0x1] =	stream.linear.gather [hbm4b:s12+s2], $0x80, $0x38;
	[tilespmem:$0x1F400] =	vst v63  }
0x3b: {  	s3 =	simm.s32 $0x1A480  }
0x3c: {  	[tilespmem:s3], [sflag:$0x1] =	stream.linear.gather [hbm4b:s13+s2], $0x80, $0x38;
	[tilespmem:$0x1F400] =	vst v63  }
0x3d: {  	s21 =	simm.s32 $0x1A880  }
0x3e: {  	[tilespmem:s21], [sflag:$0x1] =	stream.linear.gather [hbm4b:s14+s2], $0x80, $0x38;
	[tilespmem:$0x1F400] =	vst v63  }
0x3f: {  	s3 =	simm.s32 $0x19500  }
0x40: {  	[tilespmem:s3], [sflag:$0x1] =	stream.linear.gather [hbm4b:s1+s2], $0x80, $0x38;
	[tilespmem:$0x1F400] =	vst v63  }
0x41: {  	s21 =	simm.s32 $0x19900  }
0x42: {  	[tilespmem:s21], [sflag:$0x1] =	stream.linear.gather [hbm4b:s10+s2], $0x80, $0x38;
	[tilespmem:$0x1F400] =	vst v63  }
0x43: {  	s3 =	simm.s32 $0x19D00  }
0x44: {  	[tilespmem:s3], [sflag:$0x1] =	stream.linear.gather [hbm4b:s11+s2], $0x80, $0x38;
	[tilespmem:$0x1F400] =	vst v63  }
0x45: {  	s21 =	simm.s32 $0x1A100  }
0x46: {  	[tilespmem:s21], [sflag:$0x1] =	stream.linear.gather [hbm4b:s12+s2], $0x80, $0x38;
	[tilespmem:$0x1F400] =	vst v63  }
0x47: {  	s3 =	simm.s32 $0x1A500  }
0x48: {  	[tilespmem:s3], [sflag:$0x1] =	stream.linear.gather [hbm4b:s13+s2], $0x80, $0x38;
	[tilespmem:$0x1F400] =	vst v63  }
0x49: {  	s21 =	simm.s32 $0x1A900  }
0x4a: {  	[tilespmem:s21], [sflag:$0x1] =	stream.linear.gather [hbm4b:s14+s2], $0x80, $0x38;
	[tilespmem:$0x1F400] =	vst v63  }
0x4b: {  	s3 =	simm.s32 $0x19580  }
0x4c: {  	[tilespmem:s3], [sflag:$0x1] =	stream.linear.gather [hbm4b:s1+s2], $0x80, $0x38;
	[tilespmem:$0x1F400] =	vst v63  }
0x4d: {  	s21 =	simm.s32 $0x19980  }
0x4e: {  	[tilespmem:s21], [sflag:$0x1] =	stream.linear.gather [hbm4b:s10+s2], $0x80, $0x38;
	[tilespmem:$0x1F400] =	vst v63  }
0x4f: {  	s3 =	simm.s32 $0x19D80  }
0x50: {  	[tilespmem:s3], [sflag:$0x1] =	stream.linear.gather [hbm4b:s11+s2], $0x80, $0x38;
	[tilespmem:$0x1F400] =	vst v63  }
0x51: {  	s21 =	simm.s32 $0x1A180  }
0x52: {  	[tilespmem:s21], [sflag:$0x1] =	stream.linear.gather [hbm4b:s12+s2], $0x80, $0x38;
	[tilespmem:$0x1F400] =	vst v63  }
0x53: {  	s3 =	simm.s32 $0x1A580  }
0x54: {  	[tilespmem:s3], [sflag:$0x1] =	stream.linear.gather [hbm4b:s13+s2], $0x80, $0x38;
	[tilespmem:$0x1F400] =	vst v63  }
0x55: {  	s21 =	simm.s32 $0x1A980  }
0x56: {  	[tilespmem:s21], [sflag:$0x1] =	stream.linear.gather [hbm4b:s14+s2], $0x80, $0x38;
	[tilespmem:$0x1F400] =	vst v63  }
0x57: {  	s3 =	simm.s32 $0x19600  }
0x58: {  	[tilespmem:s3], [sflag:$0x1] =	stream.linear.gather [hbm4b:s1+s2], $0x80, $0x38;
	[tilespmem:$0x1F400] =	vst v63  }
0x59: {  	s21 =	simm.s32 $0x19A00  }
0x5a: {  	[tilespmem:s21], [sflag:$0x1] =	stream.linear.gather [hbm4b:s10+s2], $0x80, $0x38;
	[tilespmem:$0x1F400] =	vst v63  }
0x5b: {  	s3 =	simm.s32 $0x19E00  }
0x5c: {  	[tilespmem:s3], [sflag:$0x1] =	stream.linear.gather [hbm4b:s11+s2], $0x80, $0x38;
	[tilespmem:$0x1F400] =	vst v63  }
0x5d: {  	s21 =	simm.s32 $0x1A200  }
0x5e: {  	[tilespmem:s21], [sflag:$0x1] =	stream.linear.gather [hbm4b:s12+s2], $0x80, $0x38;
	[tilespmem:$0x1F400] =	vst v63  }
0x5f: {  	s3 =	simm.s32 $0x1A600  }
0x60: {  	[tilespmem:s3], [sflag:$0x1] =	stream.linear.gather [hbm4b:s13+s2], $0x80, $0x38;
	[tilespmem:$0x1F400] =	vst v63  }
0x61: {  	s21 =	simm.s32 $0x1AA00  }
0x62: {  	[tilespmem:s21], [sflag:$0x1] =	stream.linear.gather [hbm4b:s14+s2], $0x80, $0x38;
	[tilespmem:$0x1F400] =	vst v63  }
0x63: {  	s3 =	simm.s32 $0x19680  }
0x64: {  	[tilespmem:s3], [sflag:$0x1] =	stream.linear.gather [hbm4b:s1+s2], $0x80, $0x38;
	[tilespmem:$0x1F400] =	vst v63  }
0x65: {  	s21 =	simm.s32 $0x19A80  }
0x66: {  	[tilespmem:s21], [sflag:$0x1] =	stream.linear.gather [hbm4b:s10+s2], $0x80, $0x38;
	[tilespmem:$0x1F400] =	vst v63  }
0x67: {  	s3 =	simm.s32 $0x19E80  }
0x68: {  	[tilespmem:s3], [sflag:$0x1] =	stream.linear.gather [hbm4b:s11+s2], $0x80, $0x38;
	[tilespmem:$0x1F400] =	vst v63  }
0x69: {  	s21 =	simm.s32 $0x1A280  }
0x6a: {  	[tilespmem:s21], [sflag:$0x1] =	stream.linear.gather [hbm4b:s12+s2], $0x80, $0x38;
	[tilespmem:$0x1F400] =	vst v63  }
0x6b: {  	s3 =	simm.s32 $0x1A680  }
0x6c: {  	[tilespmem:s3], [sflag:$0x1] =	stream.linear.gather [hbm4b:s13+s2], $0x80, $0x38;
	[tilespmem:$0x1F400] =	vst v63  }
0x6d: {  	s21 =	simm.s32 $0x1AA80  }
0x6e: {  	[tilespmem:s21], [sflag:$0x1] =	stream.linear.gather [hbm4b:s14+s2], $0x80, $0x38;
	[tilespmem:$0x1F400] =	vst v63  }
0x6f: {  	s3 =	simm.s32 $0x19700  }
0x70: {  	[tilespmem:s3], [sflag:$0x1] =	stream.linear.gather [hbm4b:s1+s2], $0x80, $0x38;
	[tilespmem:$0x1F400] =	vst v63  }
0x71: {  	s21 =	simm.s32 $0x19B00  }
0x72: {  	[tilespmem:s21], [sflag:$0x1] =	stream.linear.gather [hbm4b:s10+s2], $0x80, $0x38;
	[tilespmem:$0x1F400] =	vst v63  }
0x73: {  	s3 =	simm.s32 $0x19F00  }
0x74: {  	[tilespmem:s3], [sflag:$0x1] =	stream.linear.gather [hbm4b:s11+s2], $0x80, $0x38;
	[tilespmem:$0x1F400] =	vst v63  }
0x75: {  	s21 =	simm.s32 $0x1A300  }
0x76: {  	[tilespmem:s21], [sflag:$0x1] =	stream.linear.gather [hbm4b:s12+s2], $0x80, $0x38;
	[tilespmem:$0x1F400] =	vst v63  }
0x77: {  	s3 =	simm.s32 $0x1A700  }
0x78: {  	[tilespmem:s3], [sflag:$0x1] =	stream.linear.gather [hbm4b:s13+s2], $0x80, $0x38;
	[tilespmem:$0x1F400] =	vst v63  }
0x79: {  	s21 =	simm.s32 $0x1AB00  }
0x7a: {  	[tilespmem:s21], [sflag:$0x1] =	stream.linear.gather [hbm4b:s14+s2], $0x80, $0x38;
	[tilespmem:$0x1F400] =	vst v63  }
0x7b: {  	s3 =	simm.s32 $0x19780  }
0x7c: {  	[tilespmem:s3], [sflag:$0x1] =	stream.linear.gather [hbm4b:s1+s2], $0x80, $0x38;
	[tilespmem:$0x1F400] =	vst v63  }
0x7d: {  	s21 =	simm.s32 $0x19B80  }
0x7e: {  	[tilespmem:s21], [sflag:$0x1] =	stream.linear.gather [hbm4b:s10+s2], $0x80, $0x38;
	[tilespmem:$0x1F400] =	vst v63  }
0x7f: {  	s3 =	simm.s32 $0x19F80  }
0x80: {  	[tilespmem:s3], [sflag:$0x1] =	stream.linear.gather [hbm4b:s11+s2], $0x80, $0x38;
	[tilespmem:$0x1F400] =	vst v63  }
0x81: {  	s21 =	simm.s32 $0x1A380  }
0x82: {  	[tilespmem:s21], [sflag:$0x1] =	stream.linear.gather [hbm4b:s12+s2], $0x80, $0x38;
	[tilespmem:$0x1F400] =	vst v63  }
0x83: {  	s3 =	simm.s32 $0x1A780  }
0x84: {  	[tilespmem:s3], [sflag:$0x1] =	stream.linear.gather [hbm4b:s13+s2], $0x80, $0x38;
	[tilespmem:$0x1F400] =	vst v63  }
0x85: {  	s21 =	simm.s32 $0x1AB80  }
0x86: {  	[tilespmem:s21], [sflag:$0x1] =	stream.linear.gather [hbm4b:s14+s2], $0x80, $0x38;
	[tilespmem:$0x1F400] =	vst v63  }
0x87: {  	_ = 	snop  }
0x88: {  	[tilespmem:s22], [sflag:$0x1] =	stream.linear.gather [hbm4b:s1+s2], $0x80, $0x38;
	[tilespmem:$0x1F400] =	vst v63  }
0x89: {  	s22 =	simm.s32 $0x1B000  }
0x8a: {  	[tilespmem:s22], [sflag:$0x1] =	stream.linear.gather [hbm4b:s10+s2], $0x80, $0x38;
	[tilespmem:$0x1F400] =	vst v63  }
0x8b: {  	_ = 	snop  }
0x8c: {  	[tilespmem:s23], [sflag:$0x1] =	stream.linear.gather [hbm4b:s11+s2], $0x80, $0x38;
	[tilespmem:$0x1F400] =	vst v63  }
0x8d: {  	s23 =	simm.s32 $0x1B800  }
0x8e: {  	[tilespmem:s23], [sflag:$0x1] =	stream.linear.gather [hbm4b:s12+s2], $0x80, $0x38;
	[tilespmem:$0x1F400] =	vst v63  }
0x8f: {  	_ = 	snop  }
0x90: {  	[tilespmem:s25], [sflag:$0x1] =	stream.linear.gather [hbm4b:s13+s2], $0x80, $0x38;
	[tilespmem:$0x1F400] =	vst v63  }
0x91: {  	s3 =	simm.s32 $0x1C000  }
0x92: {  	[tilespmem:s3], [sflag:$0x1] =	stream.linear.gather [hbm4b:s14+s2], $0x80, $0x38;
	[tilespmem:$0x1F400] =	vst v63  }
0x93: {  	s21 =	simm.s32 $0x1AC80  }
0x94: {  	[tilespmem:s21], [sflag:$0x1] =	stream.linear.gather [hbm4b:s1+s2], $0x80, $0x38;
	[tilespmem:$0x1F400] =	vst v63  }
0x95: {  	s22 =	simm.s32 $0x1B080  }
0x96: {  	[tilespmem:s22], [sflag:$0x1] =	stream.linear.gather [hbm4b:s10+s2], $0x80, $0x38;
	[tilespmem:$0x1F400] =	vst v63  }
0x97: {  	s23 =	simm.s32 $0x1B480  }
0x98: {  	[tilespmem:s23], [sflag:$0x1] =	stream.linear.gather [hbm4b:s11+s2], $0x80, $0x38;
	[tilespmem:$0x1F400] =	vst v63  }
0x99: {  	s25 =	simm.s32 $0x1B880  }
0x9a: {  	[tilespmem:s25], [sflag:$0x1] =	stream.linear.gather [hbm4b:s12+s2], $0x80, $0x38;
	[tilespmem:$0x1F400] =	vst v63  }
0x9b: {  	s3 =	simm.s32 $0x1BC80  }
0x9c: {  	[tilespmem:s3], [sflag:$0x1] =	stream.linear.gather [hbm4b:s13+s2], $0x80, $0x38;
	[tilespmem:$0x1F400] =	vst v63  }
0x9d: {  	s21 =	simm.s32 $0x1C080  }
0x9e: {  	[tilespmem:s21], [sflag:$0x1] =	stream.linear.gather [hbm4b:s14+s2], $0x80, $0x38;
	[tilespmem:$0x1F400] =	vst v63  }
0x9f: {  	s22 =	simm.s32 $0x1AD00  }
0xa0: {  	[tilespmem:s22], [sflag:$0x1] =	stream.linear.gather [hbm4b:s1+s2], $0x80, $0x38;
	[tilespmem:$0x1F400] =	vst v63  }
0xa1: {  	s23 =	simm.s32 $0x1B100  }
0xa2: {  	[tilespmem:s23], [sflag:$0x1] =	stream.linear.gather [hbm4b:s10+s2], $0x80, $0x38;
	[tilespmem:$0x1F400] =	vst v63  }
0xa3: {  	s25 =	simm.s32 $0x1B500  }
0xa4: {  	[tilespmem:s25], [sflag:$0x1] =	stream.linear.gather [hbm4b:s11+s2], $0x80, $0x38;
	[tilespmem:$0x1F400] =	vst v63  }
0xa5: {  	s3 =	simm.s32 $0x1B900  }
0xa6: {  	[tilespmem:s3], [sflag:$0x1] =	stream.linear.gather [hbm4b:s12+s2], $0x80, $0x38;
	[tilespmem:$0x1F400] =	vst v63  }
0xa7: {  	s21 =	simm.s32 $0x1BD00  }
0xa8: {  	[tilespmem:s21], [sflag:$0x1] =	stream.linear.gather [hbm4b:s13+s2], $0x80, $0x38;
	[tilespmem:$0x1F400] =	vst v63  }
0xa9: {  	s22 =	simm.s32 $0x1C100  }
0xaa: {  	[tilespmem:s22], [sflag:$0x1] =	stream.linear.gather [hbm4b:s14+s2], $0x80, $0x38;
	[tilespmem:$0x1F400] =	vst v63  }
0xab: {  	s23 =	simm.s32 $0x1AD80  }
0xac: {  	[tilespmem:s23], [sflag:$0x1] =	stream.linear.gather [hbm4b:s1+s2], $0x80, $0x38;
	[tilespmem:$0x1F400] =	vst v63  }
0xad: {  	s25 =	simm.s32 $0x1B180  }
0xae: {  	[tilespmem:s25], [sflag:$0x1] =	stream.linear.gather [hbm4b:s10+s2], $0x80, $0x38;
	[tilespmem:$0x1F400] =	vst v63  }
0xaf: {  	s3 =	simm.s32 $0x1B580  }
0xb0: {  	[tilespmem:s3], [sflag:$0x1] =	stream.linear.gather [hbm4b:s11+s2], $0x80, $0x38;
	[tilespmem:$0x1F400] =	vst v63  }
0xb1: {  	s21 =	simm.s32 $0x1B980  }
0xb2: {  	[tilespmem:s21], [sflag:$0x1] =	stream.linear.gather [hbm4b:s12+s2], $0x80, $0x38;
	[tilespmem:$0x1F400] =	vst v63  }
0xb3: {  	s22 =	simm.s32 $0x1BD80  }
0xb4: {  	[tilespmem:s22], [sflag:$0x1] =	stream.linear.gather [hbm4b:s13+s2], $0x80, $0x38;
	[tilespmem:$0x1F400] =	vst v63  }
0xb5: {  	s23 =	simm.s32 $0x1C180  }
0xb6: {  	[tilespmem:s23], [sflag:$0x1] =	stream.linear.gather [hbm4b:s14+s2], $0x80, $0x38;
	[tilespmem:$0x1F400] =	vst v63  }
0xb7: {  	s25 =	simm.s32 $0x1AE00  }
0xb8: {  	[tilespmem:s25], [sflag:$0x1] =	stream.linear.gather [hbm4b:s1+s2], $0x80, $0x38;
	[tilespmem:$0x1F400] =	vst v63  }
0xb9: {  	s3 =	simm.s32 $0x1B200  }
0xba: {  	[tilespmem:s3], [sflag:$0x1] =	stream.linear.gather [hbm4b:s10+s2], $0x80, $0x38;
	[tilespmem:$0x1F400] =	vst v63  }
0xbb: {  	s21 =	simm.s32 $0x1B600  }
0xbc: {  	[tilespmem:s21], [sflag:$0x1] =	stream.linear.gather [hbm4b:s11+s2], $0x80, $0x38;
	[tilespmem:$0x1F400] =	vst v63  }
0xbd: {  	s22 =	simm.s32 $0x1BA00  }
0xbe: {  	[tilespmem:s22], [sflag:$0x1] =	stream.linear.gather [hbm4b:s12+s2], $0x80, $0x38;
	[tilespmem:$0x1F400] =	vst v63  }
0xbf: {  	s23 =	simm.s32 $0x1BE00  }
0xc0: {  	[tilespmem:s23], [sflag:$0x1] =	stream.linear.gather [hbm4b:s13+s2], $0x80, $0x38;
	[tilespmem:$0x1F400] =	vst v63  }
0xc1: {  	s25 =	simm.s32 $0x1C200  }
0xc2: {  	[tilespmem:s25], [sflag:$0x1] =	stream.linear.gather [hbm4b:s14+s2], $0x80, $0x38;
	[tilespmem:$0x1F400] =	vst v63  }
0xc3: {  	s3 =	simm.s32 $0x1AE80  }
0xc4: {  	[tilespmem:s3], [sflag:$0x1] =	stream.linear.gather [hbm4b:s1+s2], $0x80, $0x38;
	[tilespmem:$0x1F400] =	vst v63  }
0xc5: {  	s21 =	simm.s32 $0x1B280  }
0xc6: {  	[tilespmem:s21], [sflag:$0x1] =	stream.linear.gather [hbm4b:s10+s2], $0x80, $0x38;
	[tilespmem:$0x1F400] =	vst v63  }
0xc7: {  	s22 =	simm.s32 $0x1B680  }
0xc8: {  	[tilespmem:s22], [sflag:$0x1] =	stream.linear.gather [hbm4b:s11+s2], $0x80, $0x38;
	[tilespmem:$0x1F400] =	vst v63  }
0xc9: {  	s23 =	simm.s32 $0x1BA80  }
0xca: {  	[tilespmem:s23], [sflag:$0x1] =	stream.linear.gather [hbm4b:s12+s2], $0x80, $0x38;
	[tilespmem:$0x1F400] =	vst v63  }
0xcb: {  	s25 =	simm.s32 $0x1BE80  }
0xcc: {  	[tilespmem:s25], [sflag:$0x1] =	stream.linear.gather [hbm4b:s13+s2], $0x80, $0x38;
	[tilespmem:$0x1F400] =	vst v63  }
0xcd: {  	s3 =	simm.s32 $0x1C280  }
0xce: {  	[tilespmem:s3], [sflag:$0x1] =	stream.linear.gather [hbm4b:s14+s2], $0x80, $0x38;
	[tilespmem:$0x1F400] =	vst v63  }
0xcf: {  	s21 =	simm.s32 $0x1AF00  }
0xd0: {  	[tilespmem:s21], [sflag:$0x1] =	stream.linear.gather [hbm4b:s1+s2], $0x80, $0x38;
	[tilespmem:$0x1F400] =	vst v63  }
0xd1: {  	s22 =	simm.s32 $0x1B300  }
0xd2: {  	[tilespmem:s22], [sflag:$0x1] =	stream.linear.gather [hbm4b:s10+s2], $0x80, $0x38;
	[tilespmem:$0x1F400] =	vst v63  }
0xd3: {  	s23 =	simm.s32 $0x1B700  }
0xd4: {  	[tilespmem:s23], [sflag:$0x1] =	stream.linear.gather [hbm4b:s11+s2], $0x80, $0x38;
	[tilespmem:$0x1F400] =	vst v63  }
0xd5: {  	s25 =	simm.s32 $0x1BB00  }
0xd6: {  	[tilespmem:s25], [sflag:$0x1] =	stream.linear.gather [hbm4b:s12+s2], $0x80, $0x38;
	[tilespmem:$0x1F400] =	vst v63  }
0xd7: {  	s3 =	simm.s32 $0x1BF00  }
0xd8: {  	[tilespmem:s3], [sflag:$0x1] =	stream.linear.gather [hbm4b:s13+s2], $0x80, $0x38;
	[tilespmem:$0x1F400] =	vst v63  }
0xd9: {  	s21 =	simm.s32 $0x1C300  }
0xda: {  	[tilespmem:s21], [sflag:$0x1] =	stream.linear.gather [hbm4b:s14+s2], $0x80, $0x38;
	[tilespmem:$0x1F400] =	vst v63  }
0xdb: {  	s22 =	simm.s32 $0x1AF80  }
0xdc: {  	[tilespmem:s22], [sflag:$0x1] =	stream.linear.gather [hbm4b:s1+s2], $0x80, $0x38;
	[tilespmem:$0x1F400] =	vst v63  }
0xdd: {  	s23 =	simm.s32 $0x1B380  }
0xde: {  	[tilespmem:s23], [sflag:$0x1] =	stream.linear.gather [hbm4b:s10+s2], $0x80, $0x38;
	[tilespmem:$0x1F400] =	vst v63  }
0xdf: {  	s25 =	simm.s32 $0x1B780  }
0xe0: {  	[tilespmem:s25], [sflag:$0x1] =	stream.linear.gather [hbm4b:s11+s2], $0x80, $0x38;
	[tilespmem:$0x1F400] =	vst v63  }
0xe1: {  	s3 =	simm.s32 $0x1BB80  }
0xe2: {  	[tilespmem:s3], [sflag:$0x1] =	stream.linear.gather [hbm4b:s12+s2], $0x80, $0x38;
	[tilespmem:$0x1F400] =	vst v63  }
0xe3: {  	s21 =	simm.s32 $0x1BF80  }
0xe4: {  	[tilespmem:s21], [sflag:$0x1] =	stream.linear.gather [hbm4b:s13+s2], $0x80, $0x38;
	[tilespmem:$0x1F400] =	vst v63  }
0xe5: {  	s22 =	simm.s32 $0x1C380  }
0xe6: {  	[tilespmem:s22], [sflag:$0x1] =	stream.linear.gather [hbm4b:s14+s2], $0x80, $0x38;
	[tilespmem:$0x1F400] =	vst v63  }
0xe7: {  	_ = 	snop  }
0xe8: {  	[tilespmem:s28], [sflag:$0x1] =	stream.linear.gather [hbm4b:s1+s2], $0x80, $0x38;
	[tilespmem:$0x1F400] =	vst v63  }
0xe9: {  	s23 =	simm.s32 $0x1C800  }
0xea: {  	[tilespmem:s23], [sflag:$0x1] =	stream.linear.gather [hbm4b:s10+s2], $0x80, $0x38;
	[tilespmem:$0x1F400] =	vst v63  }
0xeb: {  	_ = 	snop  }
0xec: {  	[tilespmem:s24], [sflag:$0x1] =	stream.linear.gather [hbm4b:s11+s2], $0x80, $0x38;
	[tilespmem:$0x1F400] =	vst v63  }
0xed: {  	s24 =	simm.s32 $0x1D000  }
0xee: {  	[tilespmem:s24], [sflag:$0x1] =	stream.linear.gather [hbm4b:s12+s2], $0x80, $0x38;
	[tilespmem:$0x1F400] =	vst v63  }
0xef: {  	_ = 	snop  }
0xf0: {  	[tilespmem:s30], [sflag:$0x1] =	stream.linear.gather [hbm4b:s13+s2], $0x80, $0x38;
	[tilespmem:$0x1F400] =	vst v63  }
0xf1: {  	s25 =	simm.s32 $0x1D800  }
0xf2: {  	[tilespmem:s25], [sflag:$0x1] =	stream.linear.gather [hbm4b:s14+s2], $0x80, $0x38;
	[tilespmem:$0x1F400] =	vst v63  }
0xf3: {  	s28 =	simm.s32 $0x1C480  }
0xf4: {  	[tilespmem:s28], [sflag:$0x1] =	stream.linear.gather [hbm4b:s1+s2], $0x80, $0x38;
	[tilespmem:$0x1F400] =	vst v63  }
0xf5: {  	s30 =	simm.s32 $0x1C880  }
0xf6: {  	[tilespmem:s30], [sflag:$0x1] =	stream.linear.gather [hbm4b:s10+s2], $0x80, $0x38;
	[tilespmem:$0x1F400] =	vst v63  }
0xf7: {  	s3 =	simm.s32 $0x1CC80  }
0xf8: {  	[tilespmem:s3], [sflag:$0x1] =	stream.linear.gather [hbm4b:s11+s2], $0x80, $0x38;
	[tilespmem:$0x1F400] =	vst v63  }
0xf9: {  	s21 =	simm.s32 $0x1D080  }
0xfa: {  	[tilespmem:s21], [sflag:$0x1] =	stream.linear.gather [hbm4b:s12+s2], $0x80, $0x38;
	[tilespmem:$0x1F400] =	vst v63  }
0xfb: {  	s22 =	simm.s32 $0x1D480  }
0xfc: {  	[tilespmem:s22], [sflag:$0x1] =	stream.linear.gather [hbm4b:s13+s2], $0x80, $0x38;
	[tilespmem:$0x1F400] =	vst v63  }
0xfd: {  	s23 =	simm.s32 $0x1D880  }
0xfe: {  	[tilespmem:s23], [sflag:$0x1] =	stream.linear.gather [hbm4b:s14+s2], $0x80, $0x38;
	[tilespmem:$0x1F400] =	vst v63  }
0xff: {  	s24 =	simm.s32 $0x1C500  }
0x100: {  	[tilespmem:s24], [sflag:$0x1] =	stream.linear.gather [hbm4b:s1+s2], $0x80, $0x38;
	[tilespmem:$0x1F400] =	vst v63  }
0x101: {  	s25 =	simm.s32 $0x1C900  }
0x102: {  	[tilespmem:s25], [sflag:$0x1] =	stream.linear.gather [hbm4b:s10+s2], $0x80, $0x38;
	[tilespmem:$0x1F400] =	vst v63  }
0x103: {  	s28 =	simm.s32 $0x1CD00  }
0x104: {  	[tilespmem:s28], [sflag:$0x1] =	stream.linear.gather [hbm4b:s11+s2], $0x80, $0x38;
	[tilespmem:$0x1F400] =	vst v63  }
0x105: {  	s30 =	simm.s32 $0x1D100  }
0x106: {  	[tilespmem:s30], [sflag:$0x1] =	stream.linear.gather [hbm4b:s12+s2], $0x80, $0x38;
	[tilespmem:$0x1F400] =	vst v63  }
0x107: {  	s3 =	simm.s32 $0x1D500  }
0x108: {  	[tilespmem:s3], [sflag:$0x1] =	stream.linear.gather [hbm4b:s13+s2], $0x80, $0x38;
	[tilespmem:$0x1F400] =	vst v63  }
0x109: {  	s21 =	simm.s32 $0x1D900  }
0x10a: {  	[tilespmem:s21], [sflag:$0x1] =	stream.linear.gather [hbm4b:s14+s2], $0x80, $0x38;
	[tilespmem:$0x1F400] =	vst v63  }
0x10b: {  	s22 =	simm.s32 $0x1C580  }
0x10c: {  	[tilespmem:s22], [sflag:$0x1] =	stream.linear.gather [hbm4b:s1+s2], $0x80, $0x38;
	[tilespmem:$0x1F400] =	vst v63  }
0x10d: {  	s23 =	simm.s32 $0x1C980  }
0x10e: {  	[tilespmem:s23], [sflag:$0x1] =	stream.linear.gather [hbm4b:s10+s2], $0x80, $0x38;
	[tilespmem:$0x1F400] =	vst v63  }
0x10f: {  	s24 =	simm.s32 $0x1CD80  }
0x110: {  	[tilespmem:s24], [sflag:$0x1] =	stream.linear.gather [hbm4b:s11+s2], $0x80, $0x38;
	[tilespmem:$0x1F400] =	vst v63  }
0x111: {  	s25 =	simm.s32 $0x1D180  }
0x112: {  	[tilespmem:s25], [sflag:$0x1] =	stream.linear.gather [hbm4b:s12+s2], $0x80, $0x38;
	[tilespmem:$0x1F400] =	vst v63  }
0x113: {  	s28 =	simm.s32 $0x1D580  }
0x114: {  	[tilespmem:s28], [sflag:$0x1] =	stream.linear.gather [hbm4b:s13+s2], $0x80, $0x38;
	[tilespmem:$0x1F400] =	vst v63  }
0x115: {  	s30 =	simm.s32 $0x1D980  }
0x116: {  	[tilespmem:s30], [sflag:$0x1] =	stream.linear.gather [hbm4b:s14+s2], $0x80, $0x38;
	[tilespmem:$0x1F400] =	vst v63  }
0x117: {  	s3 =	simm.s32 $0x1C600  }
0x118: {  	[tilespmem:s3], [sflag:$0x1] =	stream.linear.gather [hbm4b:s1+s2], $0x80, $0x38;
	[tilespmem:$0x1F400] =	vst v63  }
0x119: {  	s21 =	simm.s32 $0x1CA00  }
0x11a: {  	[tilespmem:s21], [sflag:$0x1] =	stream.linear.gather [hbm4b:s10+s2], $0x80, $0x38;
	[tilespmem:$0x1F400] =	vst v63  }
0x11b: {  	s22 =	simm.s32 $0x1CE00  }
0x11c: {  	[tilespmem:s22], [sflag:$0x1] =	stream.linear.gather [hbm4b:s11+s2], $0x80, $0x38;
	[tilespmem:$0x1F400] =	vst v63  }
0x11d: {  	s23 =	simm.s32 $0x1D200  }
0x11e: {  	[tilespmem:s23], [sflag:$0x1] =	stream.linear.gather [hbm4b:s12+s2], $0x80, $0x38;
	[tilespmem:$0x1F400] =	vst v63  }
0x11f: {  	s24 =	simm.s32 $0x1D600  }
0x120: {  	[tilespmem:s24], [sflag:$0x1] =	stream.linear.gather [hbm4b:s13+s2], $0x80, $0x38;
	[tilespmem:$0x1F400] =	vst v63  }
0x121: {  	s25 =	simm.s32 $0x1DA00  }
0x122: {  	[tilespmem:s25], [sflag:$0x1] =	stream.linear.gather [hbm4b:s14+s2], $0x80, $0x38;
	[tilespmem:$0x1F400] =	vst v63  }
0x123: {  	s28 =	simm.s32 $0x1C680  }
0x124: {  	[tilespmem:s28], [sflag:$0x1] =	stream.linear.gather [hbm4b:s1+s2], $0x80, $0x38;
	[tilespmem:$0x1F400] =	vst v63  }
0x125: {  	s30 =	simm.s32 $0x1CA80  }
0x126: {  	[tilespmem:s30], [sflag:$0x1] =	stream.linear.gather [hbm4b:s10+s2], $0x80, $0x38;
	[tilespmem:$0x1F400] =	vst v63  }
0x127: {  	s3 =	simm.s32 $0x1CE80  }
0x128: {  	[tilespmem:s3], [sflag:$0x1] =	stream.linear.gather [hbm4b:s11+s2], $0x80, $0x38;
	[tilespmem:$0x1F400] =	vst v63  }
0x129: {  	s21 =	simm.s32 $0x1D280  }
0x12a: {  	[tilespmem:s21], [sflag:$0x1] =	stream.linear.gather [hbm4b:s12+s2], $0x80, $0x38;
	[tilespmem:$0x1F400] =	vst v63  }
0x12b: {  	s22 =	simm.s32 $0x1D680  }
0x12c: {  	[tilespmem:s22], [sflag:$0x1] =	stream.linear.gather [hbm4b:s13+s2], $0x80, $0x38;
	[tilespmem:$0x1F400] =	vst v63  }
0x12d: {  	s23 =	simm.s32 $0x1DA80  }
0x12e: {  	[tilespmem:s23], [sflag:$0x1] =	stream.linear.gather [hbm4b:s14+s2], $0x80, $0x38;
	[tilespmem:$0x1F400] =	vst v63  }
0x12f: {  	s24 =	simm.s32 $0x1C700  }
0x130: {  	[tilespmem:s24], [sflag:$0x1] =	stream.linear.gather [hbm4b:s1+s2], $0x80, $0x38;
	[tilespmem:$0x1F400] =	vst v63  }
0x131: {  	s25 =	simm.s32 $0x1CB00  }
0x132: {  	[tilespmem:s25], [sflag:$0x1] =	stream.linear.gather [hbm4b:s10+s2], $0x80, $0x38;
	[tilespmem:$0x1F400] =	vst v63  }
0x133: {  	s28 =	simm.s32 $0x1CF00  }
0x134: {  	[tilespmem:s28], [sflag:$0x1] =	stream.linear.gather [hbm4b:s11+s2], $0x80, $0x38;
	[tilespmem:$0x1F400] =	vst v63  }
0x135: {  	s30 =	simm.s32 $0x1D300  }
0x136: {  	[tilespmem:s30], [sflag:$0x1] =	stream.linear.gather [hbm4b:s12+s2], $0x80, $0x38;
	[tilespmem:$0x1F400] =	vst v63  }
0x137: {  	s3 =	simm.s32 $0x1D700  }
0x138: {  	[tilespmem:s3], [sflag:$0x1] =	stream.linear.gather [hbm4b:s13+s2], $0x80, $0x38;
	[tilespmem:$0x1F400] =	vst v63  }
0x139: {  	s21 =	simm.s32 $0x1DB00  }
0x13a: {  	[tilespmem:s21], [sflag:$0x1] =	stream.linear.gather [hbm4b:s14+s2], $0x80, $0x38;
	[tilespmem:$0x1F400] =	vst v63  }
0x13b: {  	s22 =	simm.s32 $0x1C780  }
0x13c: {  	[tilespmem:s22], [sflag:$0x1] =	stream.linear.gather [hbm4b:s1+s2], $0x80, $0x38;
	[tilespmem:$0x1F400] =	vst v63  }
0x13d: {  	s23 =	simm.s32 $0x1CB80  }
0x13e: {  	[tilespmem:s23], [sflag:$0x1] =	stream.linear.gather [hbm4b:s10+s2], $0x80, $0x38;
	[tilespmem:$0x1F400] =	vst v63  }
0x13f: {  	s24 =	simm.s32 $0x1CF80  }
0x140: {  	[tilespmem:s24], [sflag:$0x1] =	stream.linear.gather [hbm4b:s11+s2], $0x80, $0x38;
	[tilespmem:$0x1F400] =	vst v63  }
0x141: {  	s25 =	simm.s32 $0x1D380  }
0x142: {  	[tilespmem:s25], [sflag:$0x1] =	stream.linear.gather [hbm4b:s12+s2], $0x80, $0x38;
	[tilespmem:$0x1F400] =	vst v63  }
0x143: {  	s28 =	simm.s32 $0x1D780  }
0x144: {  	[tilespmem:s28], [sflag:$0x1] =	stream.linear.gather [hbm4b:s13+s2], $0x80, $0x38;
	[tilespmem:$0x1F400] =	vst v63  }
0x145: {  	s30 =	simm.s32 $0x1DB80  }
0x146: {  	[tilespmem:s30], [sflag:$0x1] =	stream.linear.gather [hbm4b:s14+s2], $0x80, $0x38;
	[tilespmem:$0x1F400] =	vst v63  }
0x147: {  	_ = 	snop  }
0x148: {  	[tilespmem:s31], [sflag:$0x1] =	stream.linear.gather [hbm4b:s1+s2], $0x80, $0x38;
	[tilespmem:$0x1F400] =	vst v63  }
0x149: {  	s3 =	simm.s32 $0x1E000  }
0x14a: {  	[tilespmem:s3], [sflag:$0x1] =	stream.linear.gather [hbm4b:s10+s2], $0x80, $0x38;
	[tilespmem:$0x1F400] =	vst v63  }
0x14b: {  	s21 =	simm.s32 $0x1E400  }
0x14c: {  	[tilespmem:s21], [sflag:$0x1] =	stream.linear.gather [hbm4b:s11+s2], $0x80, $0x38;
	[tilespmem:$0x1F400] =	vst v63  }
0x14d: {  	s22 =	simm.s32 $0x1E800  }
0x14e: {  	[tilespmem:s22], [sflag:$0x1] =	stream.linear.gather [hbm4b:s12+s2], $0x80, $0x38;
	[tilespmem:$0x1F400] =	vst v63  }
0x14f: {  	s23 =	simm.s32 $0x1EC00  }
0x150: {  	[tilespmem:s23], [sflag:$0x1] =	stream.linear.gather [hbm4b:s13+s2], $0x80, $0x38;
	[tilespmem:$0x1F400] =	vst v63  }
0x151: {  	s24 =	simm.s32 $0x1F000  }
0x152: {  	[tilespmem:s24], [sflag:$0x1] =	stream.linear.gather [hbm4b:s14+s2], $0x80, $0x38;
	[tilespmem:$0x1F400] =	vst v63  }
0x153: {  	s25 =	simm.s32 $0x1DC80  }
0x154: {  	[tilespmem:s25], [sflag:$0x1] =	stream.linear.gather [hbm4b:s1+s2], $0x80, $0x38;
	[tilespmem:$0x1F400] =	vst v63  }
0x155: {  	s28 =	simm.s32 $0x1E080  }
0x156: {  	[tilespmem:s28], [sflag:$0x1] =	stream.linear.gather [hbm4b:s10+s2], $0x80, $0x38;
	[tilespmem:$0x1F400] =	vst v63  }
0x157: {  	s30 =	simm.s32 $0x1E480  }
0x158: {  	[tilespmem:s30], [sflag:$0x1] =	stream.linear.gather [hbm4b:s11+s2], $0x80, $0x38;
	[tilespmem:$0x1F400] =	vst v63  }
0x159: {  	s3 =	simm.s32 $0x1E880  }
0x15a: {  	[tilespmem:s3], [sflag:$0x1] =	stream.linear.gather [hbm4b:s12+s2], $0x80, $0x38;
	[tilespmem:$0x1F400] =	vst v63  }
0x15b: {  	s21 =	simm.s32 $0x1EC80  }
0x15c: {  	[tilespmem:s21], [sflag:$0x1] =	stream.linear.gather [hbm4b:s13+s2], $0x80, $0x38;
	[tilespmem:$0x1F400] =	vst v63  }
0x15d: {  	s22 =	simm.s32 $0x1F080  }
0x15e: {  	[tilespmem:s22], [sflag:$0x1] =	stream.linear.gather [hbm4b:s14+s2], $0x80, $0x38;
	[tilespmem:$0x1F400] =	vst v63  }
0x15f: {  	s23 =	simm.s32 $0x1DD00  }
0x160: {  	[tilespmem:s23], [sflag:$0x1] =	stream.linear.gather [hbm4b:s1+s2], $0x80, $0x38;
	[tilespmem:$0x1F400] =	vst v63  }
0x161: {  	s24 =	simm.s32 $0x1E100  }
0x162: {  	[tilespmem:s24], [sflag:$0x1] =	stream.linear.gather [hbm4b:s10+s2], $0x80, $0x38;
	[tilespmem:$0x1F400] =	vst v63  }
0x163: {  	s25 =	simm.s32 $0x1E500  }
0x164: {  	[tilespmem:s25], [sflag:$0x1] =	stream.linear.gather [hbm4b:s11+s2], $0x80, $0x38;
	[tilespmem:$0x1F400] =	vst v63  }
0x165: {  	s28 =	simm.s32 $0x1E900  }
0x166: {  	[tilespmem:s28], [sflag:$0x1] =	stream.linear.gather [hbm4b:s12+s2], $0x80, $0x38;
	[tilespmem:$0x1F400] =	vst v63  }
0x167: {  	s30 =	simm.s32 $0x1ED00  }
0x168: {  	[tilespmem:s30], [sflag:$0x1] =	stream.linear.gather [hbm4b:s13+s2], $0x80, $0x38;
	[tilespmem:$0x1F400] =	vst v63  }
0x169: {  	s3 =	simm.s32 $0x1F100  }
0x16a: {  	[tilespmem:s3], [sflag:$0x1] =	stream.linear.gather [hbm4b:s14+s2], $0x80, $0x38;
	[tilespmem:$0x1F400] =	vst v63  }
0x16b: {  	s21 =	simm.s32 $0x1DD80  }
0x16c: {  	[tilespmem:s21], [sflag:$0x1] =	stream.linear.gather [hbm4b:s1+s2], $0x80, $0x38;
	[tilespmem:$0x1F400] =	vst v63  }
0x16d: {  	s22 =	simm.s32 $0x1E180  }
0x16e: {  	[tilespmem:s22], [sflag:$0x1] =	stream.linear.gather [hbm4b:s10+s2], $0x80, $0x38;
	[tilespmem:$0x1F400] =	vst v63  }
0x16f: {  	s23 =	simm.s32 $0x1E580  }
0x170: {  	[tilespmem:s23], [sflag:$0x1] =	stream.linear.gather [hbm4b:s11+s2], $0x80, $0x38;
	[tilespmem:$0x1F400] =	vst v63  }
0x171: {  	s24 =	simm.s32 $0x1E980  }
0x172: {  	[tilespmem:s24], [sflag:$0x1] =	stream.linear.gather [hbm4b:s12+s2], $0x80, $0x38;
	[tilespmem:$0x1F400] =	vst v63  }
0x173: {  	s25 =	simm.s32 $0x1ED80  }
0x174: {  	[tilespmem:s25], [sflag:$0x1] =	stream.linear.gather [hbm4b:s13+s2], $0x80, $0x38;
	[tilespmem:$0x1F400] =	vst v63  }
0x175: {  	s28 =	simm.s32 $0x1F180  }
0x176: {  	[tilespmem:s28], [sflag:$0x1] =	stream.linear.gather [hbm4b:s14+s2], $0x80, $0x38;
	[tilespmem:$0x1F400] =	vst v63  }
0x177: {  	s30 =	simm.s32 $0x1DE00  }
0x178: {  	[tilespmem:s30], [sflag:$0x1] =	stream.linear.gather [hbm4b:s1+s2], $0x80, $0x38;
	[tilespmem:$0x1F400] =	vst v63  }
0x179: {  	s3 =	simm.s32 $0x1E200  }
0x17a: {  	[tilespmem:s3], [sflag:$0x1] =	stream.linear.gather [hbm4b:s10+s2], $0x80, $0x38;
	[tilespmem:$0x1F400] =	vst v63  }
0x17b: {  	s21 =	simm.s32 $0x1E600  }
0x17c: {  	[tilespmem:s21], [sflag:$0x1] =	stream.linear.gather [hbm4b:s11+s2], $0x80, $0x38;
	[tilespmem:$0x1F400] =	vst v63  }
0x17d: {  	s22 =	simm.s32 $0x1EA00  }
0x17e: {  	[tilespmem:s22], [sflag:$0x1] =	stream.linear.gather [hbm4b:s12+s2], $0x80, $0x38;
	[tilespmem:$0x1F400] =	vst v63  }
0x17f: {  	s23 =	simm.s32 $0x1EE00  }
0x180: {  	[tilespmem:s23], [sflag:$0x1] =	stream.linear.gather [hbm4b:s13+s2], $0x80, $0x38;
	[tilespmem:$0x1F400] =	vst v63  }
0x181: {  	s24 =	simm.s32 $0x1F200  }
0x182: {  	[tilespmem:s24], [sflag:$0x1] =	stream.linear.gather [hbm4b:s14+s2], $0x80, $0x38;
	[tilespmem:$0x1F400] =	vst v63  }
0x183: {  	s25 =	simm.s32 $0x1DE80  }
0x184: {  	[tilespmem:s25], [sflag:$0x1] =	stream.linear.gather [hbm4b:s1+s2], $0x80, $0x38;
	[tilespmem:$0x1F400] =	vst v63  }
0x185: {  	s28 =	simm.s32 $0x1E280  }
0x186: {  	[tilespmem:s28], [sflag:$0x1] =	stream.linear.gather [hbm4b:s10+s2], $0x80, $0x38;
	[tilespmem:$0x1F400] =	vst v63  }
0x187: {  	s30 =	simm.s32 $0x1E680  }
0x188: {  	[tilespmem:s30], [sflag:$0x1] =	stream.linear.gather [hbm4b:s11+s2], $0x80, $0x38;
	[tilespmem:$0x1F400] =	vst v63  }
0x189: {  	s3 =	simm.s32 $0x1EA80  }
0x18a: {  	[tilespmem:s3], [sflag:$0x1] =	stream.linear.gather [hbm4b:s12+s2], $0x80, $0x38;
	[tilespmem:$0x1F400] =	vst v63  }
0x18b: {  	s21 =	simm.s32 $0x1EE80  }
0x18c: {  	[tilespmem:s21], [sflag:$0x1] =	stream.linear.gather [hbm4b:s13+s2], $0x80, $0x38;
	[tilespmem:$0x1F400] =	vst v63  }
0x18d: {  	s22 =	simm.s32 $0x1F280  }
0x18e: {  	[tilespmem:s22], [sflag:$0x1] =	stream.linear.gather [hbm4b:s14+s2], $0x80, $0x38;
	[tilespmem:$0x1F400] =	vst v63  }
0x18f: {  	s23 =	simm.s32 $0x1DF00  }
0x190: {  	[tilespmem:s23], [sflag:$0x1] =	stream.linear.gather [hbm4b:s1+s2], $0x80, $0x38;
	[tilespmem:$0x1F400] =	vst v63  }
0x191: {  	s24 =	simm.s32 $0x1E300  }
0x192: {  	[tilespmem:s24], [sflag:$0x1] =	stream.linear.gather [hbm4b:s10+s2], $0x80, $0x38;
	[tilespmem:$0x1F400] =	vst v63  }
0x193: {  	s25 =	simm.s32 $0x1E700  }
0x194: {  	[tilespmem:s25], [sflag:$0x1] =	stream.linear.gather [hbm4b:s11+s2], $0x80, $0x38;
	[tilespmem:$0x1F400] =	vst v63  }
0x195: {  	s28 =	simm.s32 $0x1EB00  }
0x196: {  	[tilespmem:s28], [sflag:$0x1] =	stream.linear.gather [hbm4b:s12+s2], $0x80, $0x38;
	[tilespmem:$0x1F400] =	vst v63  }
0x197: {  	s30 =	simm.s32 $0x1EF00  }
0x198: {  	[tilespmem:s30], [sflag:$0x1] =	stream.linear.gather [hbm4b:s13+s2], $0x80, $0x38;
	[tilespmem:$0x1F400] =	vst v63  }
0x199: {  	s3 =	simm.s32 $0x1F300  }
0x19a: {  	[tilespmem:s3], [sflag:$0x1] =	stream.linear.gather [hbm4b:s14+s2], $0x80, $0x38;
	[tilespmem:$0x1F400] =	vst v63  }
0x19b: {  	s21 =	simm.s32 $0x1DF80  }
0x19c: {  	[tilespmem:s21], [sflag:$0x1] =	stream.linear.gather [hbm4b:s1+s2], $0x80, $0x38;
	[tilespmem:$0x1F400] =	vst v63  }
0x19d: {  	s22 =	simm.s32 $0x1E380  }
0x19e: {  	[tilespmem:s22], [sflag:$0x1] =	stream.linear.gather [hbm4b:s10+s2], $0x80, $0x38;
	[tilespmem:$0x1F400] =	vst v63  }
0x19f: {  	s23 =	simm.s32 $0x1E780  }
0x1a0: {  	[tilespmem:s23], [sflag:$0x1] =	stream.linear.gather [hbm4b:s11+s2], $0x80, $0x38;
	[tilespmem:$0x1F400] =	vst v63  }
0x1a1: {  	s24 =	simm.s32 $0x1EB80  }
0x1a2: {  	[tilespmem:s24], [sflag:$0x1] =	stream.linear.gather [hbm4b:s12+s2], $0x80, $0x38;
	[tilespmem:$0x1F400] =	vst v63  }
0x1a3: {  	s25 =	simm.s32 $0x1EF80  }
0x1a4: {  	[tilespmem:s25], [sflag:$0x1] =	stream.linear.gather [hbm4b:s13+s2], $0x80, $0x38;
	[tilespmem:$0x1F400] =	vst v63  }
0x1a5: {  	s28 =	simm.s32 $0x1F380  }
0x1a6: {  	[tilespmem:s28], [sflag:$0x1] =	stream.linear.gather [hbm4b:s14+s2], $0x80, $0x38;
	[tilespmem:$0x1F400] =	vst v63  }
0x1a7: {  	[tilespmem:$0x400] =	vst v0  }
0x1a8: {  	[tilespmem:$0x410] =	vst v0  }
0x1a9: {  	[tilespmem:$0x480] =	vst v0  }
0x1aa: {  	[tilespmem:$0x490] =	vst v0  }
0x1ab: {  	[tilespmem:$0x500] =	vst v0  }
0x1ac: {  	[tilespmem:$0x510] =	vst v0  }
0x1ad: {  	[tilespmem:$0x580] =	vst v0  }
0x1ae: {  	[tilespmem:$0x590] =	vst v0  }
0x1af: {  	[tilespmem:$0x600] =	vst v0  }
0x1b0: {  	[tilespmem:$0x610] =	vst v0  }
0x1b1: {  	[tilespmem:$0x680] =	vst v0  }
0x1b2: {  	[tilespmem:$0x690] =	vst v0  }
0x1b3: {  	[tilespmem:$0x700] =	vst v0  }
0x1b4: {  	[tilespmem:$0x710] =	vst v0  }
0x1b5: {  	[tilespmem:$0x780] =	vst v0  }
0x1b6: {  	[tilespmem:$0x790] =	vst v0  }
0x1b7: {  	[tilespmem:$0x800] =	vst v0  }
0x1b8: {  	[tilespmem:$0x810] =	vst v0  }
0x1b9: {  	[tilespmem:$0x880] =	vst v0  }
0x1ba: {  	[tilespmem:$0x890] =	vst v0  }
0x1bb: {  	[tilespmem:$0x900] =	vst v0  }
0x1bc: {  	[tilespmem:$0x910] =	vst v0  }
0x1bd: {  	[tilespmem:$0x980] =	vst v0  }
0x1be: {  	[tilespmem:$0x990] =	vst v0  }
0x1bf: {  	[tilespmem:$0xA00] =	vst v0  }
0x1c0: {  	[tilespmem:$0xA10] =	vst v0  }
0x1c1: {  	[tilespmem:$0xA80] =	vst v0  }
0x1c2: {  	[tilespmem:$0xA90] =	vst v0  }
0x1c3: {  	[tilespmem:$0xB00] =	vst v0  }
0x1c4: {  	[tilespmem:$0xB10] =	vst v0  }
0x1c5: {  	[tilespmem:$0xB80] =	vst v0  }
0x1c6: {  	[tilespmem:$0xB90] =	vst v0  }
0x1c7: {  	[tilespmem:$0xC00] =	vst v0  }
0x1c8: {  	[tilespmem:$0xC10] =	vst v0  }
0x1c9: {  	[tilespmem:$0xC80] =	vst v0  }
0x1ca: {  	[tilespmem:$0xC90] =	vst v0  }
0x1cb: {  	[tilespmem:$0xD00] =	vst v0  }
0x1cc: {  	[tilespmem:$0xD10] =	vst v0  }
0x1cd: {  	[tilespmem:$0xD80] =	vst v0  }
0x1ce: {  	[tilespmem:$0xD90] =	vst v0  }
0x1cf: {  	[tilespmem:$0xE00] =	vst v0  }
0x1d0: {  	[tilespmem:$0xE10] =	vst v0  }
0x1d1: {  	[tilespmem:$0xE80] =	vst v0  }
0x1d2: {  	[tilespmem:$0xE90] =	vst v0  }
0x1d3: {  	[tilespmem:$0xF00] =	vst v0  }
0x1d4: {  	[tilespmem:$0xF10] =	vst v0  }
0x1d5: {  	[tilespmem:$0xF80] =	vst v0  }
0x1d6: {  	[tilespmem:$0xF90] =	vst v0  }
0x1d7: {  	[tilespmem:$0x1000] =	vst v0  }
0x1d8: {  	[tilespmem:$0x1010] =	vst v0  }
0x1d9: {  	[tilespmem:$0x1080] =	vst v0  }
0x1da: {  	[tilespmem:$0x1090] =	vst v0  }
0x1db: {  	[tilespmem:$0x1100] =	vst v0  }
0x1dc: {  	[tilespmem:$0x1110] =	vst v0  }
0x1dd: {  	[tilespmem:$0x1180] =	vst v0  }
0x1de: {  	[tilespmem:$0x1190] =	vst v0  }
0x1df: {  	[tilespmem:$0x1200] =	vst v0  }
0x1e0: {  	[tilespmem:$0x1210] =	vst v0  }
0x1e1: {  	[tilespmem:$0x1280] =	vst v0  }
0x1e2: {  	[tilespmem:$0x1290] =	vst v0  }
0x1e3: {  	[tilespmem:$0x1300] =	vst v0  }
0x1e4: {  	[tilespmem:$0x1310] =	vst v0  }
0x1e5: {  	[tilespmem:$0x1380] =	vst v0  }
0x1e6: {  	s30 =	simm.s32 $0x0;
	[tilespmem:$0x1390] =	vst v0  }
0x1e7: {  	v6 =	vld [tilespmem:s30+$0x0];
	_ =	sdelay $0x4  }
0x1e8: {  	vm1 =	vne.s32 v6, $0x0  }
0x1e9: {  	v6 =	vsel vm1, $0x1, v2  }
0x1ea: {  	(xrf0) =	vadd.scan.msk.s32 $0xffff, v6;
	_ =	sdelay $0x2  }
0x1eb: {  	v6 =	vmov s2  }
0x1ec: {  	v6 =	vadd.s32 $0xFFFFFFFF, v6  }
0x1ed: {  	v6 =	vbroadcast v6, $0x0  }
0x1ee: {  	v7, _, _ =	vpop (xrf0)  }
0x1ef: {  	v6 =	vadd.s32 v7, v6;
	(v2sf) =	vpush v7, $0xF  }
0x1f0: {  	v8 =	vshll.u32 v6, $0x2  }
0x1f1: {  	v6 =	vand.u32 $0x1F, v6;
	v8 =	vand.u32 $0xFFFFFF80, v8  }
0x1f2: {  	v6 =	vor.u32 v6, v8;
	_ =	sdelay $0x2  }
0x1f3: {  	s22 =	rddreg [dreg:$0x5]  }
0x1f4: {  	v63 =	vor.u32 s22, v1  }
0x1f5: {  	s31 =	simm.s32 $0x0;
	s3 =	simm.s32 $0x80;
	s21 =	simm.s32 $0x10;
	[tilespmem:v6+s29+$0x0] =	vst.idx.msk vm1, v63  }
.LBB2_2:
0x1f6: {  	p0 =	sne.s32 s3, $0xFC0;
	v6 =	vld [tilespmem:s21+$0x0];
	_ =	sdelay $0x4  }
0x1f7: {  	vm1 =	vne.s32 v6, $0x0  }
0x1f8: {  	v6 =	vsel vm1, $0x1, v2;
	s21 =	spop (v2sf)  }
0x1f9: {  	(xrf0) =	vadd.scan.msk.s32 $0xffff, v6;
	s31 =	sadd.s32 s31, s21  }
0x1fa: {  	v6 =	vmov s31  }
0x1fb: {  	v6 =	vadd.s32 $0xFFFFFFFF, v6  }
0x1fc: {  	v6 =	vbroadcast v6, $0x0;
	_ =	sdelay $0x2  }
0x1fd: {  	v7, _, _ =	vpop (xrf0)  }
0x1fe: {  	v6 =	vadd.s32 v7, v6;
	(v2sf) =	vpush v7, $0xF  }
0x1ff: {  	v7 =	vand.u32 $0x1F, v6;
	v6 =	vshll.u32 v6, $0x2  }
0x200: {  	v6 =	vand.u32 $0xFFFFFF80, v6  }
0x201: {  	v6 =	vor.u32 v7, v6  }
.Ltmp2:
0x202: {  	(pc) =	sbr.rel @p0 .LBB2_2-.Ltmp2, $4  }
0x203: {  	_ = 	snop  }
0x204: {  	s22 =	sadd.s32 $0x10, s22  }
0x205: {  	v7 =	vor.u32 s22, v1  }
0x206: {  	s21 =	sshra.s32 s3, $0x2;
	s3 =	sadd.s32 $0x40, s3;
	[tilespmem:v6+s29+$0x0] =	vst.idx.msk vm1, v7  }
0x207: {  	v6 =	vld [tilespmem:s21+$0x0];
	_ =	sdelay $0x4  }
0x208: {  	vm1 =	vne.s32 v6, $0x0  }
0x209: {  	v6 =	vsel vm1, $0x1, v2  }
0x20a: {  	(xrf0) =	vadd.scan.msk.s32 $0xffff, v6;
	_ =	sdelay $0x3  }
0x20b: {  	s3 =	spop (v2sf)  }
0x20c: {  	s3 =	sadd.s32 s31, s3  }
0x20d: {  	v7 =	vmov s3;
	v6, _, _ =	vpop (xrf0)  }
0x20e: {  	v7 =	vadd.s32 $0xFFFFFFFF, v7;
	(v2sf) =	vpush v6, $0xF  }
0x20f: {  	v7 =	vbroadcast v7, $0x0;
	_ =	sdelay $0x1  }
0x210: {  	v6 =	vadd.s32 v6, v7  }
0x211: {  	v7 =	vshll.u32 v6, $0x2  }
0x212: {  	v6 =	vand.u32 $0x1F, v6;
	v7 =	vand.u32 $0xFFFFFF80, v7  }
0x213: {  	v6 =	vor.u32 v6, v7;
	_ =	sdelay $0x2  }
0x214: {  	s25 =	sadd.s32 $0x10, s22  }
0x215: {  	v7 =	vor.u32 s25, v1  }
0x216: {  	s28 =	sadd.s32 $0x0, s16;
	[tilespmem:v6+s29+$0x0] =	vst.idx.msk vm1, v7  }
0x217: {  	[tilespmem:s19], [sflag:$0x3] =	stream.linear.gather [hbm4b:s28+s2], $0xC000, $0x38;
	[tilespmem:$0x1F400] =	vst v63  }
0x218: {  	s21 =	sadd.s32 $0x1800, s28  }
0x219: {  	[tilespmem:s26], [sflag:$0x4] =	stream.linear.gather [hbm4b:s21+s2], $0xC000, $0x38;
	[tilespmem:$0x1F400] =	vst v63  }
0x21a: {  	s30 =	spop (v2sf)  }
0x21b: {  	_ =	swait.ge [sflag:s6], $0xC000  }
0x21c: {  	[sflag:s6] =	ssyncset.done $0x0  }
0x21d: {  	s31 =	sadd.s32 $0x0, s15;
	[sflag:s6] =	ssyncadd.s32 $0xFFFF4000  }
0x21e: {  	[hbm4b:s31+s2] =	stream.linear.scatter [tilespmem:s19], [sflag:$0x5], $0xC000, $0x38;
	[tilespmem:$0x1F400] =	vst v63  }
0x21f: {  	_ =	swait.ge [sflag:s9], $0xC000  }
0x220: {  	[sflag:s9] =	ssyncset.done $0x0  }
0x221: {  	s21 =	sadd.s32 $0x1800, s31;
	[sflag:s9] =	ssyncadd.s32 $0xFFFF4000  }
0x222: {  	[hbm4b:s21+s2] =	stream.linear.scatter [tilespmem:s26], [sflag:$0x6], $0xC000, $0x38;
	[tilespmem:$0x1F400] =	vst v63  }
0x223: {  	_ =	swait.ge [sflag:s17], $0xC000  }
0x224: {  	[sflag:s17] =	ssyncset.done $0x0  }
0x225: {  	[sflag:s17] =	ssyncadd.s32 $0xFFFF4000  }
0x226: {  	s22 =	simm.s32 $0x3000;
	_ =	swait.ge [sflag:s5], $0xC000  }
0x227: {  	s1 =	sadd.s32 s3, s30;
	s3 =	simm.s32 $0x6000;
	[sflag:s5] =	ssyncset.done $0x0  }
.LBB2_4:
0x228: {  	s21 =	sadd.s32 s22, s16  }
0x229: {  	[sflag:s5] =	ssyncadd.s32 $0xFFFF4000;
	s31 =	smov.u32 s3;
	s0 =	sadd.s32 $0x3000, s3  }
0x22a: {  	[tilespmem:s19], [sflag:$0x3] =	stream.linear.gather [hbm4b:s21+s2], $0xC000, $0x38;
	[tilespmem:$0x1F400] =	vst v63  }
0x22b: {  	p0 =	sne.s32 s3, $0x15000;
	s3 =	sadd.s32 $0x1800, s21  }
0x22c: {  	[tilespmem:s26], [sflag:$0x4] =	stream.linear.gather [hbm4b:s3+s2], $0xC000, $0x38;
	[tilespmem:$0x1F400] =	vst v63  }
0x22d: {  	_ =	swait.ge [sflag:s6], $0xC000  }
0x22e: {  	[sflag:s6] =	ssyncset.done $0x0  }
0x22f: {  	s3 =	sadd.s32 s22, s15;
	s22 =	smov.u32 s31;
	[sflag:s6] =	ssyncadd.s32 $0xFFFF4000  }
0x230: {  	[hbm4b:s3+s2] =	stream.linear.scatter [tilespmem:s19], [sflag:$0x5], $0xC000, $0x38;
	[tilespmem:$0x1F400] =	vst v63  }
0x231: {  	_ =	swait.ge [sflag:s9], $0xC000  }
0x232: {  	[sflag:s9] =	ssyncset.done $0x0  }
0x233: {  	s3 =	sadd.s32 $0x1800, s3;
	[sflag:s9] =	ssyncadd.s32 $0xFFFF4000  }
0x234: {  	[hbm4b:s3+s2] =	stream.linear.scatter [tilespmem:s26], [sflag:$0x6], $0xC000, $0x38;
	[tilespmem:$0x1F400] =	vst v63  }
.Ltmp3:
0x235: {  	_ =	swait.ge [sflag:s17], $0xC000;
	(pc) =	sbr.rel @p0 .LBB2_4-.Ltmp3, $4  }
0x236: {  	[sflag:s17] =	ssyncset.done $0x0  }
0x237: {  	[sflag:s17] =	ssyncadd.s32 $0xFFFF4000  }
0x238: {  	_ =	swait.ge [sflag:s5], $0xC000  }
0x239: {  	s3 =	smov.u32 s0;
	[sflag:s5] =	ssyncset.done $0x0  }
0x23a: {  	s0 =	sadd.s32 s22, s16;
	[sflag:s5] =	ssyncadd.s32 $0xFFFF4000  }
0x23b: {  	[tilespmem:s19], [sflag:$0x3] =	stream.linear.gather [hbm4b:s0+s2], $0xC000, $0x38;
	[tilespmem:$0x1F400] =	vst v63  }
0x23c: {  	s0 =	sadd.s32 $0x1800, s0  }
0x23d: {  	[tilespmem:s26], [sflag:$0x4] =	stream.linear.gather [hbm4b:s0+s2], $0xC000, $0x38;
	[tilespmem:$0x1F400] =	vst v63  }
0x23e: {  	_ =	swait.ge [sflag:s6], $0xC000  }
0x23f: {  	[sflag:s6] =	ssyncset.done $0x0  }
0x240: {  	s24 =	sadd.s32 s22, s15;
	[sflag:s6] =	ssyncadd.s32 $0xFFFF4000  }
0x241: {  	[hbm4b:s24+s2] =	stream.linear.scatter [tilespmem:s19], [sflag:$0x5], $0xC000, $0x38;
	[tilespmem:$0x1F400] =	vst v63  }
0x242: {  	_ =	swait.ge [sflag:s9], $0xC000  }
0x243: {  	[sflag:s9] =	ssyncset.done $0x0  }
0x244: {  	s0 =	sadd.s32 $0x1800, s24;
	[sflag:s9] =	ssyncadd.s32 $0xFFFF4000  }
0x245: {  	[hbm4b:s0+s2] =	stream.linear.scatter [tilespmem:s26], [sflag:$0x6], $0xC000, $0x38;
	[tilespmem:$0x1F400] =	vst v63  }
0x246: {  	_ =	swait.ge [sflag:s17], $0xC000  }
0x247: {  	[sflag:s17] =	ssyncset.done $0x0  }
0x248: {  	[sflag:s17] =	ssyncadd.s32 $0xFFFF4000  }
0x249: {  	_ =	swait.ge [sflag:s5], $0xC000  }
0x24a: {  	[sflag:s5] =	ssyncset.done $0x0  }
0x24b: {  	[sflag:s5] =	ssyncadd.s32 $0xFFFF4000  }
0x24c: {  	_ =	swait.ge [sflag:s18], $0x300  }
0x24d: {  	[sflag:s18] =	ssyncset.done $0x0  }
0x24e: {  	[sflag:s18] =	ssyncadd.s32 $0xFFFFFD00  }
0x24f: {  	_ =	swait.ge [sflag:s18], $0x300  }
0x250: {  	[sflag:s18] =	ssyncset.done $0x0  }
0x251: {  	[sflag:s18] =	ssyncadd.s32 $0xFFFFFD00  }
0x252: {  	_ =	swait.ge [sflag:s18], $0x300  }
0x253: {  	[sflag:s18] =	ssyncset.done $0x0  }
0x254: {  	[sflag:s18] =	ssyncadd.s32 $0xFFFFFD00  }
0x255: {  	_ =	swait.ge [sflag:s18], $0x300  }
0x256: {  	[sflag:s18] =	ssyncset.done $0x0  }
0x257: {  	[sflag:s18] =	ssyncadd.s32 $0xFFFFFD00  }
0x258: {  	_ =	swait.ge [sflag:s18], $0x300  }
0x259: {  	[sflag:s18] =	ssyncset.done $0x0  }
0x25a: {  	[sflag:s18] =	ssyncadd.s32 $0xFFFFFD00  }
0x25b: {  	_ =	swait.ge [sflag:s18], $0x300  }
0x25c: {  	[sflag:s18] =	ssyncset.done $0x0  }
0x25d: {  	[sflag:s18] =	ssyncadd.s32 $0xFFFFFD00  }
0x25e: {  	_ =	swait.ge [sflag:s18], $0x300  }
0x25f: {  	[sflag:s18] =	ssyncset.done $0x0  }
0x260: {  	[sflag:s18] =	ssyncadd.s32 $0xFFFFFD00  }
0x261: {  	_ =	swait.ge [sflag:s18], $0x300  }
0x262: {  	[sflag:s18] =	ssyncset.done $0x0  }
0x263: {  	[sflag:s18] =	ssyncadd.s32 $0xFFFFFD00  }
0x264: {  	_ =	swait.ge [sflag:s18], $0x300  }
0x265: {  	[sflag:s18] =	ssyncset.done $0x0  }
0x266: {  	[sflag:s18] =	ssyncadd.s32 $0xFFFFFD00  }
0x267: {  	_ =	swait.ge [sflag:s18], $0x300  }
0x268: {  	[sflag:s18] =	ssyncset.done $0x0  }
0x269: {  	[sflag:s18] =	ssyncadd.s32 $0xFFFFFD00  }
0x26a: {  	_ =	swait.ge [sflag:s18], $0x300  }
0x26b: {  	[sflag:s18] =	ssyncset.done $0x0  }
0x26c: {  	[sflag:s18] =	ssyncadd.s32 $0xFFFFFD00  }
0x26d: {  	_ =	swait.ge [sflag:s18], $0x300  }
0x26e: {  	[sflag:s18] =	ssyncset.done $0x0  }
0x26f: {  	[sflag:s18] =	ssyncadd.s32 $0xFFFFFD00  }
0x270: {  	_ =	swait.ge [sflag:s18], $0x300  }
0x271: {  	[sflag:s18] =	ssyncset.done $0x0  }
0x272: {  	[sflag:s18] =	ssyncadd.s32 $0xFFFFFD00  }
0x273: {  	_ =	swait.ge [sflag:s18], $0x300  }
0x274: {  	[sflag:s18] =	ssyncset.done $0x0  }
0x275: {  	[sflag:s18] =	ssyncadd.s32 $0xFFFFFD00  }
0x276: {  	_ =	swait.ge [sflag:s18], $0x300  }
0x277: {  	[sflag:s18] =	ssyncset.done $0x0  }
0x278: {  	[sflag:s18] =	ssyncadd.s32 $0xFFFFFD00  }
0x279: {  	_ =	swait.ge [sflag:s18], $0x300  }
0x27a: {  	[sflag:s18] =	ssyncset.done $0x0  }
0x27b: {  	[sflag:s18] =	ssyncadd.s32 $0xFFFFFD00  }
0x27c: {  	_ =	swait.ge [sflag:s18], $0x300  }
0x27d: {  	[sflag:s18] =	ssyncset.done $0x0  }
0x27e: {  	[sflag:s18] =	ssyncadd.s32 $0xFFFFFD00  }
0x27f: {  	_ =	swait.ge [sflag:s18], $0x300  }
0x280: {  	[sflag:s18] =	ssyncset.done $0x0  }
0x281: {  	[sflag:s18] =	ssyncadd.s32 $0xFFFFFD00  }
0x282: {  	_ =	swait.ge [sflag:s18], $0x300  }
0x283: {  	[sflag:s18] =	ssyncset.done $0x0  }
0x284: {  	[sflag:s18] =	ssyncadd.s32 $0xFFFFFD00  }
0x285: {  	_ =	swait.ge [sflag:s18], $0x300  }
0x286: {  	[sflag:s18] =	ssyncset.done $0x0  }
0x287: {  	[sflag:s18] =	ssyncadd.s32 $0xFFFFFD00  }
0x288: {  	_ =	swait.ge [sflag:s18], $0x300  }
0x289: {  	[sflag:s18] =	ssyncset.done $0x0  }
0x28a: {  	[sflag:s18] =	ssyncadd.s32 $0xFFFFFD00  }
0x28b: {  	_ =	swait.ge [sflag:s18], $0x300  }
0x28c: {  	[sflag:s18] =	ssyncset.done $0x0  }
0x28d: {  	[sflag:s18] =	ssyncadd.s32 $0xFFFFFD00  }
0x28e: {  	_ =	swait.ge [sflag:s18], $0x300  }
0x28f: {  	[sflag:s18] =	ssyncset.done $0x0  }
0x290: {  	[sflag:s18] =	ssyncadd.s32 $0xFFFFFD00  }
0x291: {  	_ =	swait.ge [sflag:s18], $0x300  }
0x292: {  	[sflag:s18] =	ssyncset.done $0x0  }
0x293: {  	[sflag:s18] =	ssyncadd.s32 $0xFFFFFD00  }
0x294: {  	_ =	swait.ge [sflag:s18], $0x300  }
0x295: {  	[sflag:s18] =	ssyncset.done $0x0  }
0x296: {  	[sflag:s18] =	ssyncadd.s32 $0xFFFFFD00  }
0x297: {  	_ =	swait.ge [sflag:s18], $0x300  }
0x298: {  	[sflag:s18] =	ssyncset.done $0x0  }
0x299: {  	[sflag:s18] =	ssyncadd.s32 $0xFFFFFD00  }
0x29a: {  	_ =	swait.ge [sflag:s18], $0x300  }
0x29b: {  	[sflag:s18] =	ssyncset.done $0x0  }
0x29c: {  	[sflag:s18] =	ssyncadd.s32 $0xFFFFFD00  }
0x29d: {  	_ =	swait.ge [sflag:s18], $0x300  }
0x29e: {  	[sflag:s18] =	ssyncset.done $0x0  }
0x29f: {  	[sflag:s18] =	ssyncadd.s32 $0xFFFFFD00  }
0x2a0: {  	_ =	swait.ge [sflag:s18], $0x300  }
0x2a1: {  	[sflag:s18] =	ssyncset.done $0x0  }
0x2a2: {  	[sflag:s18] =	ssyncadd.s32 $0xFFFFFD00  }
0x2a3: {  	s25 =	sadd.s32 $0x1F, s1;
	s22 =	simm.s32 $0x410;
	_ =	swait.ge [sflag:s18], $0x300  }
0x2a4: {  	s21 =	simm.s32 $0x19400;
	s23 =	simm.s32 $0x1A400;
	[sflag:s18] =	ssyncset.done $0x0  }
0x2a5: {  	s28 =	simm.s32 $0x1B400;
	s3 =	sshra.s32 s25, $0x5;
	[sflag:s18] =	ssyncadd.s32 $0xFFFFFD00  }
0x2a6: {  	s30 =	simm.s32 $0x1BC00;
	p0 =	slt.s32 s3, $0x1;
	_ =	swait.ge [sflag:s18], $0x300  }
.Ltmp4:
0x2a7: {  	s1 =	simm.s32 $0x1CC00;
	[sflag:s18] =	ssyncset.done $0x0;
	(pc) =	sbr.rel @p0 .LBB2_10-.Ltmp4, $4  }
0x2a8: {  	s10 =	simm.s32 $0x1D400;
	s11 =	simm.s32 $0x1DC00;
	[sflag:s18] =	ssyncadd.s32 $0xFFFFFD00  }
0x2a9: {  	s12 =	simm.s32 $0x1E400;
	s13 =	simm.s32 $0x1EC00;
	_ =	swait.ge [sflag:s18], $0x300  }
0x2aa: {  	s25 =	simm.s32 $0x1AC00;
	s31 =	smov.u32 s3;
	[sflag:s18] =	ssyncset.done $0x0  }
0x2ab: {  	s24 =	simm.s32 $0x1C400;
	s0 =	simm.s32 $0x19C00;
	[sflag:s18] =	ssyncadd.s32 $0xFFFFFD00  }
.LBB2_6:
0x2ac: {  	v6 =	vld [tilespmem:s22+$0xFFFFFFF0];
	_ =	sdelay $0x4  }
0x2ad: {  	v7 =	vshrl.u32 v6, $0x3  }
0x2ae: {  	v7 =	vmul.u32 $0x30, v7  }
0x2af: {  	v6 =	vand.u32 $0x7, v6  }
0x2b0: {  	v6 =	vor.u32 v6, v7  }
0x2b1: {  	v7 =	vperm.xlane v6, v3;
	_ =	sdelay $0x1  }
0x2b2: {  	v7 =	vadd.s32 v4, v7;
	_ =	sdelay $0x3  }
0x2b3: {  	v6 =	vperm.xlane v6, v5  }
0x2b4: {  	[hbm4b:s4+s2] =	stream.indirect_vreg.scatter [tilespmem:s21], [sflag:$0x2], $0x80, v7, vm0, $0xb8;
	[tilespmem:$0x1F400] =	vst v63  }
0x2b5: {  	v6 =	vadd.s32 v4, v6  }
0x2b6: {  	[hbm4b:s7+s2] =	stream.indirect_vreg.scatter [tilespmem:s0], [sflag:$0x2], $0x80, v7, vm0, $0xb8;
	[tilespmem:$0x1F400] =	vst v63  }
0x2b7: {  	_ = 	snop  }
0x2b8: {  	[hbm4b:s8+s2] =	stream.indirect_vreg.scatter [tilespmem:s23], [sflag:$0x2], $0x80, v7, vm0, $0xb8;
	[tilespmem:$0x1F400] =	vst v63  }
0x2b9: {  	_ = 	snop  }
0x2ba: {  	[hbm4b:s4+s2] =	stream.indirect_vreg.scatter [tilespmem:s25], [sflag:$0x2], $0x80, v6, vm0, $0xb8;
	[tilespmem:$0x1F400] =	vst v63  }
0x2bb: {  	_ = 	snop  }
0x2bc: {  	[hbm4b:s7+s2] =	stream.indirect_vreg.scatter [tilespmem:s28], [sflag:$0x2], $0x80, v6, vm0, $0xb8;
	[tilespmem:$0x1F400] =	vst v63  }
0x2bd: {  	_ = 	snop  }
0x2be: {  	[hbm4b:s8+s2] =	stream.indirect_vreg.scatter [tilespmem:s30], [sflag:$0x2], $0x80, v6, vm0, $0xb8;
	[tilespmem:$0x1F400] =	vst v63  }
0x2bf: {  	v6 =	vld [tilespmem:s22+$0x0];
	_ =	sdelay $0x4  }
0x2c0: {  	v7 =	vshrl.u32 v6, $0x3  }
0x2c1: {  	v7 =	vmul.u32 $0x30, v7  }
0x2c2: {  	v6 =	vand.u32 $0x7, v6  }
0x2c3: {  	v6 =	vor.u32 v6, v7  }
0x2c4: {  	v7 =	vperm.xlane v6, v3;
	_ =	sdelay $0x1  }
0x2c5: {  	v7 =	vadd.s32 v4, v7;
	_ =	sdelay $0x3  }
0x2c6: {  	v6 =	vperm.xlane v6, v5  }
0x2c7: {  	[hbm4b:s4+s2] =	stream.indirect_vreg.scatter [tilespmem:s24], [sflag:$0x2], $0x80, v7, vm0, $0xb8;
	[tilespmem:$0x1F400] =	vst v63  }
0x2c8: {  	v6 =	vadd.s32 v4, v6  }
0x2c9: {  	[hbm4b:s7+s2] =	stream.indirect_vreg.scatter [tilespmem:s1], [sflag:$0x2], $0x80, v7, vm0, $0xb8;
	[tilespmem:$0x1F400] =	vst v63  }
0x2ca: {  	_ = 	snop  }
0x2cb: {  	[hbm4b:s8+s2] =	stream.indirect_vreg.scatter [tilespmem:s10], [sflag:$0x2], $0x80, v7, vm0, $0xb8;
	[tilespmem:$0x1F400] =	vst v63  }
0x2cc: {  	p0 =	sne.s32 s31, $0x1  }
0x2cd: {  	[hbm4b:s4+s2] =	stream.indirect_vreg.scatter [tilespmem:s11], [sflag:$0x2], $0x80, v6, vm0, $0xb8;
	[tilespmem:$0x1F400] =	vst v63  }
.Ltmp5:
0x2ce: {  	_ = 	snop;
	(pc) =	sbr.rel @p0 .LBB2_6-.Ltmp5, $4  }
0x2cf: {  	_ = 	snop  }
0x2d0: {  	[hbm4b:s7+s2] =	stream.indirect_vreg.scatter [tilespmem:s12], [sflag:$0x2], $0x80, v6, vm0, $0xb8;
	[tilespmem:$0x1F400] =	vst v63  }
0x2d1: {  	s31 =	sadd.s32 $0xFFFFFFFF, s31;
	s22 =	sadd.s32 $0x80, s22  }
0x2d2: {  	[hbm4b:s8+s2] =	stream.indirect_vreg.scatter [tilespmem:s13], [sflag:$0x2], $0x80, v6, vm0, $0xb8;
	[tilespmem:$0x1F400] =	vst v63  }
0x2d3: {  	p0 =	sne.s32 s3, $0x1  }
.Ltmp6:
0x2d4: {  	_ = 	snop;
	(pc) =	sbr.rel @!p0 .LBB2_9-.Ltmp6, $3  }
0x2d5: {  	_ =	sdelay $0x1  }
0x2d6: {  	_ =	swait.ge [sflag:s20], $0x6000  }
0x2d7: {  	s3 =	sadd.s32 $0xFFFFFFFF, s3;
	[sflag:s20] =	ssyncset.done $0x0  }
.LBB2_8:
0x2d8: {  	p0 =	sne.s32 s3, $0x1;
	s3 =	sadd.s32 $0xFFFFFFFF, s3;
	[sflag:s20] =	ssyncadd.s32 $0xFFFFA000  }
.Ltmp7:
0x2d9: {  	(pc) =	sbr.rel @p0 .LBB2_8-.Ltmp7, $3  }
0x2da: {  	_ =	sdelay $0x1  }
0x2db: {  	_ =	swait.ge [sflag:s20], $0x6000  }
0x2dc: {  	[sflag:s20] =	ssyncset.done $0x0  }
.Ltmp8:
0x2dd: {  	_ = 	snop;
	(pc) =	sbr.rel .LBB2_9-.Ltmp8, $1  }
0x2de: {  	_ =	sdelay $0x3  }
.LBB2_11:
0x2df: {  	_ =	sfence.sel $0x180000  }
0x2e0: {  	[bflag:$0x0] =	sbarrier.arrive $0xFFFF  }
0x2e1: {  	_ =	strace $0x90000047  }
0x2e2: {  	s0 =	stileid.u32;
	[bflag:$0x2] =	sbarrier.arrive $0xFFFF  }
0x2e3: {  	p0 =	sne.s32 s0, $0x0;
	s0 =	rddreg [dreg:$0x4]  }
0x2e4: {  	s0 =	sadd.s32 @!p0 $0x100000, s0  }
0x2e5: {  	[sflag:s0] =	ssyncadd.tile.s32 @!p0 $0x1;
	_ =	shalt  }
.Lfunc_end2:
_tile_overlayer_lowered:
.L_overlay_start_2:
0x2e6: {  	(tag) =	ssettag $0x2  }
0x2e7: {  	s0 =	rddreg [dreg:$0x0];
	s2 =	stileid.u32  }
0x2e8: {  	s1 =	rddreg [dreg:$0x1];
	p0 =	sne.s32 s2, $0x0  }
0x2e9: {  	s3 =	rddreg [dreg:$0x2];
	[bflag:$0x3] =	sbarrier.arrive $0xFFFF;
	s2 =	simm.s32 @!p0 $0x1C07  }
0x2ea: {  	[timem:s3], [sflag:s2] =	dma.local @!p0 [hbm:s0], s1  }
0x2eb: {  	s0 =	simm.s32 @!p0 $0x7  }
0x2ec: {  	_ =	swait.ge @!p0 [sflag:s0], s1  }
0x2ed: {  	s1 =	ssub.s32 @!p0 $0x0, s1;
	[sflag:s0] =	ssyncset.done @!p0 $0x0  }
0x2ee: {  	[sflag:s0] =	ssyncadd.s32 @!p0 s1  }
0x2ef: {  	[bflag:$0x3] =	sbarrier.arrive $0xFFFF  }
0x2f0: {  	_ =	shalt  }

</sc_bundles>
